<compile_context>
chip_gen: v7x
topology: tpu7x:2x2x1
jax: 0.10.2.dev20260603
libtpu: 0.0.44.dev20260713+nightly
codegen_flags: <defaults>
</compile_context>

<pallas_src>
import functools

import jax
import jax.numpy as jnp
from jax import lax
from jax.experimental import pallas as pl
from jax.experimental.pallas import tpu as pltpu
from jax.experimental.pallas import tpu_sc as plsc

RANK = 32
LANES = 16
CHUNK = 128


def _mf_body(u_hbm, i_hbm, mu_hbm, bu_hbm, bi_hbm, U_hbm, V_hbm, out_hbm,
             uidx, iidx, urows, vrows, buv, biv, muv, st, outv, sem,
             *, bpw, nch, nc):
  c = lax.axis_index("c")
  s = lax.axis_index("s")
  wid = s * nc + c
  base = wid * bpw

  for j in range(nch):
    pltpu.sync_copy(u_hbm.at[pl.ds(base + j * CHUNK, CHUNK)], uidx.at[j])
    pltpu.sync_copy(i_hbm.at[pl.ds(base + j * CHUNK, CHUNK)], iidx.at[j])
  pltpu.sync_copy(mu_hbm, muv)

  copies = []
  for j in range(nch):
    sl = pl.ds(j * CHUNK, CHUNK)
    copies.append(pltpu.async_copy(U_hbm.at[uidx.at[j]], urows.at[sl], sem))
    copies.append(pltpu.async_copy(V_hbm.at[iidx.at[j]], vrows.at[sl], sem))
    copies.append(pltpu.async_copy(bu_hbm.at[uidx.at[j]], buv.at[sl], sem))
    copies.append(pltpu.async_copy(bi_hbm.at[iidx.at[j]], biv.at[sl], sem))
  for cp in copies:
    cp.wait()

  lane = lax.iota(jnp.int32, LANES)

  def dot_body(b, carry):
    u0 = urows[b, pl.ds(0, LANES)]
    u1 = urows[b, pl.ds(LANES, LANES)]
    v0 = vrows[b, pl.ds(0, LANES)]
    v1 = vrows[b, pl.ds(LANES, LANES)]
    part = u0 * v0 + u1 * v1
    plsc.store_scatter(st, [lane * bpw + b], part)
    return carry

  lax.fori_loop(0, bpw, dot_body, 0)

  mu_vec = muv[...]

  def red_body(g, carry):
    sl = pl.ds(g * LANES, LANES)
    acc = buv[sl] + biv[sl] + mu_vec
    for k in range(LANES):
      acc = acc + st[pl.ds(k * bpw + g * LANES, LANES)]
    outv[sl] = acc
    return carry

  lax.fori_loop(0, bpw // LANES, red_body, 0)

  pltpu.sync_copy(outv, out_hbm.at[pl.ds(base, bpw)])


def kernel(u, i, mu, bu, bi, U, V):
  batch = u.shape[0]
  info = plsc.get_sparse_core_info()
  nc, ns = info.num_cores, info.num_subcores
  nw = nc * ns
  bpw = batch // nw
  nch = bpw // CHUNK

  mu_vec = jnp.broadcast_to(mu, (LANES,)).astype(jnp.float32)
  bu_flat = bu.reshape(-1)
  bi_flat = bi.reshape(-1)

  mesh = plsc.VectorSubcoreMesh(core_axis_name="c", subcore_axis_name="s")
  body = functools.partial(_mf_body, bpw=bpw, nch=nch, nc=nc)
  fn = pl.kernel(
      body,
      mesh=mesh,
      compiler_params=pltpu.CompilerParams(
          needs_layout_passes=False, use_tc_tiling_on_sc=False),
      out_type=jax.ShapeDtypeStruct((batch,), jnp.float32),
      scratch_types=[
          pltpu.VMEM((nch, CHUNK), jnp.int32),
          pltpu.VMEM((nch, CHUNK), jnp.int32),
          pltpu.VMEM((bpw, RANK), jnp.float32),
          pltpu.VMEM((bpw, RANK), jnp.float32),
          pltpu.VMEM((bpw,), jnp.float32),
          pltpu.VMEM((bpw,), jnp.float32),
          pltpu.VMEM((LANES,), jnp.float32),
          pltpu.VMEM((LANES * bpw,), jnp.float32),
          pltpu.VMEM((bpw,), jnp.float32),
          pltpu.SemaphoreType.DMA,
      ],
  )
  return fn(u, i, mu_vec, bu_flat, bi_flat, U, V)

# --- scband reference (transcript-rebuilt; emitter-appended) ---
"""Pipeline reference for scband-biased-mf-60430189854794 (READ-ONLY COPY).

The authoritative reference and input builder live on the scoring server;
editing this copy changes nothing except your own understanding.
"""

import jax, jax.numpy as jnp
import numpy as np

N_USERS = 1000000
N_ITEMS = 1000000
RANK = 32
BATCH = 16384


def setup_inputs(seed: int = 0) -> dict:
    key = jax.random.key(seed)
    k_u, k_i, k_U, k_V = jax.random.split(key, 4)
    u = jax.random.randint(k_u, (BATCH,), 0, N_USERS, dtype=jnp.int64 if jax.config.jax_enable_x64 else jnp.int32).astype(jnp.int32)
    i = jax.random.randint(k_i, (BATCH,), 0, N_ITEMS, dtype=jnp.int64 if jax.config.jax_enable_x64 else jnp.int32).astype(jnp.int32)
    mu = jnp.zeros((), dtype=jnp.float32)
    bu = jnp.zeros((N_USERS, 1), dtype=jnp.float32)
    bi = jnp.zeros((N_ITEMS, 1), dtype=jnp.float32)
    U = jax.random.normal(k_U, (N_USERS, RANK), dtype=jnp.float32) * 0.01
    V = jax.random.normal(k_V, (N_ITEMS, RANK), dtype=jnp.float32) * 0.01
    return {"u": u, "i": i, "mu": mu, "bu": bu, "bi": bi, "U": U, "V": V}


def reference(u, i, mu, bu, bi, U, V):
    # BiasedMF forward: mu + bu(u) + bi(i) + <U(u), V(i)>
    bu_u = jnp.take(bu, u, axis=0).squeeze(-1)   # [B]
    bi_i = jnp.take(bi, i, axis=0).squeeze(-1)   # [B]
    Uu = jnp.take(U, u, axis=0)                  # [B, rank]
    Vi = jnp.take(V, i, axis=0)                  # [B, rank]
    return mu + bu_u + bi_i + (Uu * Vi).sum(axis=-1)

if __name__ == "__main__":
    import jax
    _d = setup_inputs()
    print(jax.jit(kernel)(*tuple(_d.values())))

</pallas_src>

<mosaic_0001>
#map = affine_map<(d0, d1) -> (0)>
#map1 = affine_map<(d0, d1) -> (0, 0)>
module attributes {stable_mosaic.version = 14 : i64} {
  func.func @_mf_body(%arg0: i32, %arg1: i32, %arg2: memref<16384xi32, #tpu.memory_space<hbm>>, %arg3: memref<16384xi32, #tpu.memory_space<hbm>>, %arg4: memref<16xf32, #tpu.memory_space<hbm>>, %arg5: memref<1000000xf32, #tpu.memory_space<hbm>>, %arg6: memref<1000000xf32, #tpu.memory_space<hbm>>, %arg7: memref<1000000x32xf32, #tpu.memory_space<hbm>>, %arg8: memref<1000000x32xf32, #tpu.memory_space<hbm>>, %arg9: memref<16384xf32, #tpu.memory_space<hbm>>, %arg10: memref<4x128xi32, #tpu.memory_space<vmem>>, %arg11: memref<4x128xi32, #tpu.memory_space<vmem>>, %arg12: memref<512x32xf32, #tpu.memory_space<vmem>>, %arg13: memref<512x32xf32, #tpu.memory_space<vmem>>, %arg14: memref<512xf32, #tpu.memory_space<vmem>>, %arg15: memref<512xf32, #tpu.memory_space<vmem>>, %arg16: memref<16xf32, #tpu.memory_space<vmem>>, %arg17: memref<8192xf32, #tpu.memory_space<vmem>>, %arg18: memref<512xf32, #tpu.memory_space<vmem>>, %arg19: memref<!tpu.dma_semaphore, #tpu.memory_space<semaphore_mem>>) attributes {dimension_semantics = [#tpu.dimension_semantics<core_parallel>, #tpu.dimension_semantics<subcore_parallel>], iteration_bounds = array<i64: 2, 16>, scalar_prefetch = 0 : i64, scratch_operands = 10 : i64, tpu.core_type = #tpu.core_type<sc_vector_subcore>, window_params = [{transform_indices = #map}, {transform_indices = #map}, {transform_indices = #map}, {transform_indices = #map}, {transform_indices = #map}, {transform_indices = #map1}, {transform_indices = #map1}, {transform_indices = #map}]} {
    %mul3A = arith.constant 2 : i32
    %mul3A_0 = arith.muli %arg1, %mul3A : i32
    %add3A = arith.addi %mul3A_0, %arg0 : i32
    %mul3A_1 = arith.constant 512 : i32
    %mul3A_2 = arith.muli %add3A, %mul3A_1 : i32
    %add3A_3 = arith.constant 0 : i32
    %add3A_4 = arith.addi %mul3A_2, %add3A_3 : i32
    %run_scoped3A = arith.constant 0 : i32
    "tpu.region"() ({
      %run_scoped3A_324 = tpu.sem_alloc : memref<!tpu.dma_semaphore, #tpu.memory_space<semaphore_mem>>
      %dma_start3A_325 = arith.constant 0 : i32
      %dma_start3A_326 = tpu.memref_slice %arg10[%run_scoped3A, %dma_start3A_325] : memref<4x128xi32, #tpu.memory_space<vmem>> -> memref<1x128xi32, #tpu.memory_space<vmem>>
      %dma_start3A_327 = tpu.memref_squeeze %dma_start3A_326 : memref<1x128xi32, #tpu.memory_space<vmem>> -> memref<128xi32, #tpu.memory_space<vmem>>
      %dma_start3A_328 = tpu.memref_slice %arg2[%add3A_4] : memref<16384xi32, #tpu.memory_space<hbm>> -> memref<128xi32, #tpu.memory_space<hbm>>
      %dma_start3A_329 = arith.constant 0 : i32
      %dma_start3A_330 = tpu.memref_slice %arg10[%run_scoped3A, %dma_start3A_329] : memref<4x128xi32, #tpu.memory_space<vmem>> -> memref<1x128xi32, #tpu.memory_space<vmem>>
      %dma_start3A_331 = tpu.memref_squeeze %dma_start3A_330 : memref<1x128xi32, #tpu.memory_space<vmem>> -> memref<128xi32, #tpu.memory_space<vmem>>
      %dma_start3A_332 = tpu.memref_slice %arg2[%add3A_4] : memref<16384xi32, #tpu.memory_space<hbm>> -> memref<128xi32, #tpu.memory_space<hbm>>
      tpu.enqueue_dma source(%dma_start3A_332 : memref<128xi32, #tpu.memory_space<hbm>>) target(%dma_start3A_331 : memref<128xi32, #tpu.memory_space<vmem>>) target_semaphore(%run_scoped3A_324 : memref<!tpu.dma_semaphore, #tpu.memory_space<semaphore_mem>>)
      %dma_wait3A_333 = arith.constant 0 : i32
      %dma_wait3A_334 = tpu.memref_slice %arg10[%run_scoped3A, %dma_wait3A_333] : memref<4x128xi32, #tpu.memory_space<vmem>> -> memref<1x128xi32, #tpu.memory_space<vmem>>
      %dma_wait3A_335 = tpu.memref_squeeze %dma_wait3A_334 : memref<1x128xi32, #tpu.memory_space<vmem>> -> memref<128xi32, #tpu.memory_space<vmem>>
      %dma_wait3A_336 = tpu.memref_slice %arg2[%add3A_4] : memref<16384xi32, #tpu.memory_space<hbm>> -> memref<128xi32, #tpu.memory_space<hbm>>
      %dma_wait3A_337 = arith.constant 0 : i32
      %dma_wait3A_338 = tpu.memref_slice %arg10[%run_scoped3A, %dma_wait3A_337] : memref<4x128xi32, #tpu.memory_space<vmem>> -> memref<1x128xi32, #tpu.memory_space<vmem>>
      %dma_wait3A_339 = tpu.memref_squeeze %dma_wait3A_338 : memref<1x128xi32, #tpu.memory_space<vmem>> -> memref<128xi32, #tpu.memory_space<vmem>>
      %dma_wait3A_340 = tpu.memref_slice %arg2[%add3A_4] : memref<16384xi32, #tpu.memory_space<hbm>> -> memref<128xi32, #tpu.memory_space<hbm>>
      tpu.wait_dma2 semaphore(%run_scoped3A_324 : memref<!tpu.dma_semaphore, #tpu.memory_space<semaphore_mem>>) src(%dma_wait3A_340 : memref<128xi32, #tpu.memory_space<hbm>>) dst(%dma_wait3A_339 : memref<128xi32, #tpu.memory_space<vmem>>)
      tpu.yield
    }) : () -> ()
    %add3A_5 = arith.constant 0 : i32
    %add3A_6 = arith.addi %mul3A_2, %add3A_5 : i32
    %run_scoped3A_7 = arith.constant 0 : i32
    "tpu.region"() ({
      %run_scoped3A_324 = tpu.sem_alloc : memref<!tpu.dma_semaphore, #tpu.memory_space<semaphore_mem>>
      %dma_start3A_325 = arith.constant 0 : i32
      %dma_start3A_326 = tpu.memref_slice %arg11[%run_scoped3A_7, %dma_start3A_325] : memref<4x128xi32, #tpu.memory_space<vmem>> -> memref<1x128xi32, #tpu.memory_space<vmem>>
      %dma_start3A_327 = tpu.memref_squeeze %dma_start3A_326 : memref<1x128xi32, #tpu.memory_space<vmem>> -> memref<128xi32, #tpu.memory_space<vmem>>
      %dma_start3A_328 = tpu.memref_slice %arg3[%add3A_6] : memref<16384xi32, #tpu.memory_space<hbm>> -> memref<128xi32, #tpu.memory_space<hbm>>
      %dma_start3A_329 = arith.constant 0 : i32
      %dma_start3A_330 = tpu.memref_slice %arg11[%run_scoped3A_7, %dma_start3A_329] : memref<4x128xi32, #tpu.memory_space<vmem>> -> memref<1x128xi32, #tpu.memory_space<vmem>>
      %dma_start3A_331 = tpu.memref_squeeze %dma_start3A_330 : memref<1x128xi32, #tpu.memory_space<vmem>> -> memref<128xi32, #tpu.memory_space<vmem>>
      %dma_start3A_332 = tpu.memref_slice %arg3[%add3A_6] : memref<16384xi32, #tpu.memory_space<hbm>> -> memref<128xi32, #tpu.memory_space<hbm>>
      tpu.enqueue_dma source(%dma_start3A_332 : memref<128xi32, #tpu.memory_space<hbm>>) target(%dma_start3A_331 : memref<128xi32, #tpu.memory_space<vmem>>) target_semaphore(%run_scoped3A_324 : memref<!tpu.dma_semaphore, #tpu.memory_space<semaphore_mem>>)
      %dma_wait3A_333 = arith.constant 0 : i32
      %dma_wait3A_334 = tpu.memref_slice %arg11[%run_scoped3A_7, %dma_wait3A_333] : memref<4x128xi32, #tpu.memory_space<vmem>> -> memref<1x128xi32, #tpu.memory_space<vmem>>
      %dma_wait3A_335 = tpu.memref_squeeze %dma_wait3A_334 : memref<1x128xi32, #tpu.memory_space<vmem>> -> memref<128xi32, #tpu.memory_space<vmem>>
      %dma_wait3A_336 = tpu.memref_slice %arg3[%add3A_6] : memref<16384xi32, #tpu.memory_space<hbm>> -> memref<128xi32, #tpu.memory_space<hbm>>
      %dma_wait3A_337 = arith.constant 0 : i32
      %dma_wait3A_338 = tpu.memref_slice %arg11[%run_scoped3A_7, %dma_wait3A_337] : memref<4x128xi32, #tpu.memory_space<vmem>> -> memref<1x128xi32, #tpu.memory_space<vmem>>
      %dma_wait3A_339 = tpu.memref_squeeze %dma_wait3A_338 : memref<1x128xi32, #tpu.memory_space<vmem>> -> memref<128xi32, #tpu.memory_space<vmem>>
      %dma_wait3A_340 = tpu.memref_slice %arg3[%add3A_6] : memref<16384xi32, #tpu.memory_space<hbm>> -> memref<128xi32, #tpu.memory_space<hbm>>
      tpu.wait_dma2 semaphore(%run_scoped3A_324 : memref<!tpu.dma_semaphore, #tpu.memory_space<semaphore_mem>>) src(%dma_wait3A_340 : memref<128xi32, #tpu.memory_space<hbm>>) dst(%dma_wait3A_339 : memref<128xi32, #tpu.memory_space<vmem>>)
      tpu.yield
    }) : () -> ()
    %add3A_8 = arith.constant 128 : i32
    %add3A_9 = arith.addi %mul3A_2, %add3A_8 : i32
    %run_scoped3A_10 = arith.constant 1 : i32
    "tpu.region"() ({
      %run_scoped3A_324 = tpu.sem_alloc : memref<!tpu.dma_semaphore, #tpu.memory_space<semaphore_mem>>
      %dma_start3A_325 = arith.constant 0 : i32
      %dma_start3A_326 = tpu.memref_slice %arg10[%run_scoped3A_10, %dma_start3A_325] : memref<4x128xi32, #tpu.memory_space<vmem>> -> memref<1x128xi32, #tpu.memory_space<vmem>>
      %dma_start3A_327 = tpu.memref_squeeze %dma_start3A_326 : memref<1x128xi32, #tpu.memory_space<vmem>> -> memref<128xi32, #tpu.memory_space<vmem>>
      %dma_start3A_328 = tpu.memref_slice %arg2[%add3A_9] : memref<16384xi32, #tpu.memory_space<hbm>> -> memref<128xi32, #tpu.memory_space<hbm>>
      %dma_start3A_329 = arith.constant 0 : i32
      %dma_start3A_330 = tpu.memref_slice %arg10[%run_scoped3A_10, %dma_start3A_329] : memref<4x128xi32, #tpu.memory_space<vmem>> -> memref<1x128xi32, #tpu.memory_space<vmem>>
      %dma_start3A_331 = tpu.memref_squeeze %dma_start3A_330 : memref<1x128xi32, #tpu.memory_space<vmem>> -> memref<128xi32, #tpu.memory_space<vmem>>
      %dma_start3A_332 = tpu.memref_slice %arg2[%add3A_9] : memref<16384xi32, #tpu.memory_space<hbm>> -> memref<128xi32, #tpu.memory_space<hbm>>
      tpu.enqueue_dma source(%dma_start3A_332 : memref<128xi32, #tpu.memory_space<hbm>>) target(%dma_start3A_331 : memref<128xi32, #tpu.memory_space<vmem>>) target_semaphore(%run_scoped3A_324 : memref<!tpu.dma_semaphore, #tpu.memory_space<semaphore_mem>>)
      %dma_wait3A_333 = arith.constant 0 : i32
      %dma_wait3A_334 = tpu.memref_slice %arg10[%run_scoped3A_10, %dma_wait3A_333] : memref<4x128xi32, #tpu.memory_space<vmem>> -> memref<1x128xi32, #tpu.memory_space<vmem>>
      %dma_wait3A_335 = tpu.memref_squeeze %dma_wait3A_334 : memref<1x128xi32, #tpu.memory_space<vmem>> -> memref<128xi32, #tpu.memory_space<vmem>>
      %dma_wait3A_336 = tpu.memref_slice %arg2[%add3A_9] : memref<16384xi32, #tpu.memory_space<hbm>> -> memref<128xi32, #tpu.memory_space<hbm>>
      %dma_wait3A_337 = arith.constant 0 : i32
      %dma_wait3A_338 = tpu.memref_slice %arg10[%run_scoped3A_10, %dma_wait3A_337] : memref<4x128xi32, #tpu.memory_space<vmem>> -> memref<1x128xi32, #tpu.memory_space<vmem>>
      %dma_wait3A_339 = tpu.memref_squeeze %dma_wait3A_338 : memref<1x128xi32, #tpu.memory_space<vmem>> -> memref<128xi32, #tpu.memory_space<vmem>>
      %dma_wait3A_340 = tpu.memref_slice %arg2[%add3A_9] : memref<16384xi32, #tpu.memory_space<hbm>> -> memref<128xi32, #tpu.memory_space<hbm>>
      tpu.wait_dma2 semaphore(%run_scoped3A_324 : memref<!tpu.dma_semaphore, #tpu.memory_space<semaphore_mem>>) src(%dma_wait3A_340 : memref<128xi32, #tpu.memory_space<hbm>>) dst(%dma_wait3A_339 : memref<128xi32, #tpu.memory_space<vmem>>)
      tpu.yield
    }) : () -> ()
    %add3A_11 = arith.constant 128 : i32
    %add3A_12 = arith.addi %mul3A_2, %add3A_11 : i32
    %run_scoped3A_13 = arith.constant 1 : i32
    "tpu.region"() ({
      %run_scoped3A_324 = tpu.sem_alloc : memref<!tpu.dma_semaphore, #tpu.memory_space<semaphore_mem>>
      %dma_start3A_325 = arith.constant 0 : i32
      %dma_start3A_326 = tpu.memref_slice %arg11[%run_scoped3A_13, %dma_start3A_325] : memref<4x128xi32, #tpu.memory_space<vmem>> -> memref<1x128xi32, #tpu.memory_space<vmem>>
      %dma_start3A_327 = tpu.memref_squeeze %dma_start3A_326 : memref<1x128xi32, #tpu.memory_space<vmem>> -> memref<128xi32, #tpu.memory_space<vmem>>
      %dma_start3A_328 = tpu.memref_slice %arg3[%add3A_12] : memref<16384xi32, #tpu.memory_space<hbm>> -> memref<128xi32, #tpu.memory_space<hbm>>
      %dma_start3A_329 = arith.constant 0 : i32
      %dma_start3A_330 = tpu.memref_slice %arg11[%run_scoped3A_13, %dma_start3A_329] : memref<4x128xi32, #tpu.memory_space<vmem>> -> memref<1x128xi32, #tpu.memory_space<vmem>>
      %dma_start3A_331 = tpu.memref_squeeze %dma_start3A_330 : memref<1x128xi32, #tpu.memory_space<vmem>> -> memref<128xi32, #tpu.memory_space<vmem>>
      %dma_start3A_332 = tpu.memref_slice %arg3[%add3A_12] : memref<16384xi32, #tpu.memory_space<hbm>> -> memref<128xi32, #tpu.memory_space<hbm>>
      tpu.enqueue_dma source(%dma_start3A_332 : memref<128xi32, #tpu.memory_space<hbm>>) target(%dma_start3A_331 : memref<128xi32, #tpu.memory_space<vmem>>) target_semaphore(%run_scoped3A_324 : memref<!tpu.dma_semaphore, #tpu.memory_space<semaphore_mem>>)
      %dma_wait3A_333 = arith.constant 0 : i32
      %dma_wait3A_334 = tpu.memref_slice %arg11[%run_scoped3A_13, %dma_wait3A_333] : memref<4x128xi32, #tpu.memory_space<vmem>> -> memref<1x128xi32, #tpu.memory_space<vmem>>
      %dma_wait3A_335 = tpu.memref_squeeze %dma_wait3A_334 : memref<1x128xi32, #tpu.memory_space<vmem>> -> memref<128xi32, #tpu.memory_space<vmem>>
      %dma_wait3A_336 = tpu.memref_slice %arg3[%add3A_12] : memref<16384xi32, #tpu.memory_space<hbm>> -> memref<128xi32, #tpu.memory_space<hbm>>
      %dma_wait3A_337 = arith.constant 0 : i32
      %dma_wait3A_338 = tpu.memref_slice %arg11[%run_scoped3A_13, %dma_wait3A_337] : memref<4x128xi32, #tpu.memory_space<vmem>> -> memref<1x128xi32, #tpu.memory_space<vmem>>
      %dma_wait3A_339 = tpu.memref_squeeze %dma_wait3A_338 : memref<1x128xi32, #tpu.memory_space<vmem>> -> memref<128xi32, #tpu.memory_space<vmem>>
      %dma_wait3A_340 = tpu.memref_slice %arg3[%add3A_12] : memref<16384xi32, #tpu.memory_space<hbm>> -> memref<128xi32, #tpu.memory_space<hbm>>
      tpu.wait_dma2 semaphore(%run_scoped3A_324 : memref<!tpu.dma_semaphore, #tpu.memory_space<semaphore_mem>>) src(%dma_wait3A_340 : memref<128xi32, #tpu.memory_space<hbm>>) dst(%dma_wait3A_339 : memref<128xi32, #tpu.memory_space<vmem>>)
      tpu.yield
    }) : () -> ()
    %add3A_14 = arith.constant 256 : i32
    %add3A_15 = arith.addi %mul3A_2, %add3A_14 : i32
    %run_scoped3A_16 = arith.constant 2 : i32
    "tpu.region"() ({
      %run_scoped3A_324 = tpu.sem_alloc : memref<!tpu.dma_semaphore, #tpu.memory_space<semaphore_mem>>
      %dma_start3A_325 = arith.constant 0 : i32
      %dma_start3A_326 = tpu.memref_slice %arg10[%run_scoped3A_16, %dma_start3A_325] : memref<4x128xi32, #tpu.memory_space<vmem>> -> memref<1x128xi32, #tpu.memory_space<vmem>>
      %dma_start3A_327 = tpu.memref_squeeze %dma_start3A_326 : memref<1x128xi32, #tpu.memory_space<vmem>> -> memref<128xi32, #tpu.memory_space<vmem>>
      %dma_start3A_328 = tpu.memref_slice %arg2[%add3A_15] : memref<16384xi32, #tpu.memory_space<hbm>> -> memref<128xi32, #tpu.memory_space<hbm>>
      %dma_start3A_329 = arith.constant 0 : i32
      %dma_start3A_330 = tpu.memref_slice %arg10[%run_scoped3A_16, %dma_start3A_329] : memref<4x128xi32, #tpu.memory_space<vmem>> -> memref<1x128xi32, #tpu.memory_space<vmem>>
      %dma_start3A_331 = tpu.memref_squeeze %dma_start3A_330 : memref<1x128xi32, #tpu.memory_space<vmem>> -> memref<128xi32, #tpu.memory_space<vmem>>
      %dma_start3A_332 = tpu.memref_slice %arg2[%add3A_15] : memref<16384xi32, #tpu.memory_space<hbm>> -> memref<128xi32, #tpu.memory_space<hbm>>
      tpu.enqueue_dma source(%dma_start3A_332 : memref<128xi32, #tpu.memory_space<hbm>>) target(%dma_start3A_331 : memref<128xi32, #tpu.memory_space<vmem>>) target_semaphore(%run_scoped3A_324 : memref<!tpu.dma_semaphore, #tpu.memory_space<semaphore_mem>>)
      %dma_wait3A_333 = arith.constant 0 : i32
      %dma_wait3A_334 = tpu.memref_slice %arg10[%run_scoped3A_16, %dma_wait3A_333] : memref<4x128xi32, #tpu.memory_space<vmem>> -> memref<1x128xi32, #tpu.memory_space<vmem>>
      %dma_wait3A_335 = tpu.memref_squeeze %dma_wait3A_334 : memref<1x128xi32, #tpu.memory_space<vmem>> -> memref<128xi32, #tpu.memory_space<vmem>>
      %dma_wait3A_336 = tpu.memref_slice %arg2[%add3A_15] : memref<16384xi32, #tpu.memory_space<hbm>> -> memref<128xi32, #tpu.memory_space<hbm>>
      %dma_wait3A_337 = arith.constant 0 : i32
      %dma_wait3A_338 = tpu.memref_slice %arg10[%run_scoped3A_16, %dma_wait3A_337] : memref<4x128xi32, #tpu.memory_space<vmem>> -> memref<1x128xi32, #tpu.memory_space<vmem>>
      %dma_wait3A_339 = tpu.memref_squeeze %dma_wait3A_338 : memref<1x128xi32, #tpu.memory_space<vmem>> -> memref<128xi32, #tpu.memory_space<vmem>>
      %dma_wait3A_340 = tpu.memref_slice %arg2[%add3A_15] : memref<16384xi32, #tpu.memory_space<hbm>> -> memref<128xi32, #tpu.memory_space<hbm>>
      tpu.wait_dma2 semaphore(%run_scoped3A_324 : memref<!tpu.dma_semaphore, #tpu.memory_space<semaphore_mem>>) src(%dma_wait3A_340 : memref<128xi32, #tpu.memory_space<hbm>>) dst(%dma_wait3A_339 : memref<128xi32, #tpu.memory_space<vmem>>)
      tpu.yield
    }) : () -> ()
    %add3A_17 = arith.constant 256 : i32
    %add3A_18 = arith.addi %mul3A_2, %add3A_17 : i32
    %run_scoped3A_19 = arith.constant 2 : i32
    "tpu.region"() ({
      %run_scoped3A_324 = tpu.sem_alloc : memref<!tpu.dma_semaphore, #tpu.memory_space<semaphore_mem>>
      %dma_start3A_325 = arith.constant 0 : i32
      %dma_start3A_326 = tpu.memref_slice %arg11[%run_scoped3A_19, %dma_start3A_325] : memref<4x128xi32, #tpu.memory_space<vmem>> -> memref<1x128xi32, #tpu.memory_space<vmem>>
      %dma_start3A_327 = tpu.memref_squeeze %dma_start3A_326 : memref<1x128xi32, #tpu.memory_space<vmem>> -> memref<128xi32, #tpu.memory_space<vmem>>
      %dma_start3A_328 = tpu.memref_slice %arg3[%add3A_18] : memref<16384xi32, #tpu.memory_space<hbm>> -> memref<128xi32, #tpu.memory_space<hbm>>
      %dma_start3A_329 = arith.constant 0 : i32
      %dma_start3A_330 = tpu.memref_slice %arg11[%run_scoped3A_19, %dma_start3A_329] : memref<4x128xi32, #tpu.memory_space<vmem>> -> memref<1x128xi32, #tpu.memory_space<vmem>>
      %dma_start3A_331 = tpu.memref_squeeze %dma_start3A_330 : memref<1x128xi32, #tpu.memory_space<vmem>> -> memref<128xi32, #tpu.memory_space<vmem>>
      %dma_start3A_332 = tpu.memref_slice %arg3[%add3A_18] : memref<16384xi32, #tpu.memory_space<hbm>> -> memref<128xi32, #tpu.memory_space<hbm>>
      tpu.enqueue_dma source(%dma_start3A_332 : memref<128xi32, #tpu.memory_space<hbm>>) target(%dma_start3A_331 : memref<128xi32, #tpu.memory_space<vmem>>) target_semaphore(%run_scoped3A_324 : memref<!tpu.dma_semaphore, #tpu.memory_space<semaphore_mem>>)
      %dma_wait3A_333 = arith.constant 0 : i32
      %dma_wait3A_334 = tpu.memref_slice %arg11[%run_scoped3A_19, %dma_wait3A_333] : memref<4x128xi32, #tpu.memory_space<vmem>> -> memref<1x128xi32, #tpu.memory_space<vmem>>
      %dma_wait3A_335 = tpu.memref_squeeze %dma_wait3A_334 : memref<1x128xi32, #tpu.memory_space<vmem>> -> memref<128xi32, #tpu.memory_space<vmem>>
      %dma_wait3A_336 = tpu.memref_slice %arg3[%add3A_18] : memref<16384xi32, #tpu.memory_space<hbm>> -> memref<128xi32, #tpu.memory_space<hbm>>
      %dma_wait3A_337 = arith.constant 0 : i32
      %dma_wait3A_338 = tpu.memref_slice %arg11[%run_scoped3A_19, %dma_wait3A_337] : memref<4x128xi32, #tpu.memory_space<vmem>> -> memref<1x128xi32, #tpu.memory_space<vmem>>
      %dma_wait3A_339 = tpu.memref_squeeze %dma_wait3A_338 : memref<1x128xi32, #tpu.memory_space<vmem>> -> memref<128xi32, #tpu.memory_space<vmem>>
      %dma_wait3A_340 = tpu.memref_slice %arg3[%add3A_18] : memref<16384xi32, #tpu.memory_space<hbm>> -> memref<128xi32, #tpu.memory_space<hbm>>
      tpu.wait_dma2 semaphore(%run_scoped3A_324 : memref<!tpu.dma_semaphore, #tpu.memory_space<semaphore_mem>>) src(%dma_wait3A_340 : memref<128xi32, #tpu.memory_space<hbm>>) dst(%dma_wait3A_339 : memref<128xi32, #tpu.memory_space<vmem>>)
      tpu.yield
    }) : () -> ()
    %add3A_20 = arith.constant 384 : i32
    %add3A_21 = arith.addi %mul3A_2, %add3A_20 : i32
    %run_scoped3A_22 = arith.constant 3 : i32
    "tpu.region"() ({
      %run_scoped3A_324 = tpu.sem_alloc : memref<!tpu.dma_semaphore, #tpu.memory_space<semaphore_mem>>
      %dma_start3A_325 = arith.constant 0 : i32
      %dma_start3A_326 = tpu.memref_slice %arg10[%run_scoped3A_22, %dma_start3A_325] : memref<4x128xi32, #tpu.memory_space<vmem>> -> memref<1x128xi32, #tpu.memory_space<vmem>>
      %dma_start3A_327 = tpu.memref_squeeze %dma_start3A_326 : memref<1x128xi32, #tpu.memory_space<vmem>> -> memref<128xi32, #tpu.memory_space<vmem>>
      %dma_start3A_328 = tpu.memref_slice %arg2[%add3A_21] : memref<16384xi32, #tpu.memory_space<hbm>> -> memref<128xi32, #tpu.memory_space<hbm>>
      %dma_start3A_329 = arith.constant 0 : i32
      %dma_start3A_330 = tpu.memref_slice %arg10[%run_scoped3A_22, %dma_start3A_329] : memref<4x128xi32, #tpu.memory_space<vmem>> -> memref<1x128xi32, #tpu.memory_space<vmem>>
      %dma_start3A_331 = tpu.memref_squeeze %dma_start3A_330 : memref<1x128xi32, #tpu.memory_space<vmem>> -> memref<128xi32, #tpu.memory_space<vmem>>
      %dma_start3A_332 = tpu.memref_slice %arg2[%add3A_21] : memref<16384xi32, #tpu.memory_space<hbm>> -> memref<128xi32, #tpu.memory_space<hbm>>
      tpu.enqueue_dma source(%dma_start3A_332 : memref<128xi32, #tpu.memory_space<hbm>>) target(%dma_start3A_331 : memref<128xi32, #tpu.memory_space<vmem>>) target_semaphore(%run_scoped3A_324 : memref<!tpu.dma_semaphore, #tpu.memory_space<semaphore_mem>>)
      %dma_wait3A_333 = arith.constant 0 : i32
      %dma_wait3A_334 = tpu.memref_slice %arg10[%run_scoped3A_22, %dma_wait3A_333] : memref<4x128xi32, #tpu.memory_space<vmem>> -> memref<1x128xi32, #tpu.memory_space<vmem>>
      %dma_wait3A_335 = tpu.memref_squeeze %dma_wait3A_334 : memref<1x128xi32, #tpu.memory_space<vmem>> -> memref<128xi32, #tpu.memory_space<vmem>>
      %dma_wait3A_336 = tpu.memref_slice %arg2[%add3A_21] : memref<16384xi32, #tpu.memory_space<hbm>> -> memref<128xi32, #tpu.memory_space<hbm>>
      %dma_wait3A_337 = arith.constant 0 : i32
      %dma_wait3A_338 = tpu.memref_slice %arg10[%run_scoped3A_22, %dma_wait3A_337] : memref<4x128xi32, #tpu.memory_space<vmem>> -> memref<1x128xi32, #tpu.memory_space<vmem>>
      %dma_wait3A_339 = tpu.memref_squeeze %dma_wait3A_338 : memref<1x128xi32, #tpu.memory_space<vmem>> -> memref<128xi32, #tpu.memory_space<vmem>>
      %dma_wait3A_340 = tpu.memref_slice %arg2[%add3A_21] : memref<16384xi32, #tpu.memory_space<hbm>> -> memref<128xi32, #tpu.memory_space<hbm>>
      tpu.wait_dma2 semaphore(%run_scoped3A_324 : memref<!tpu.dma_semaphore, #tpu.memory_space<semaphore_mem>>) src(%dma_wait3A_340 : memref<128xi32, #tpu.memory_space<hbm>>) dst(%dma_wait3A_339 : memref<128xi32, #tpu.memory_space<vmem>>)
      tpu.yield
    }) : () -> ()
    %add3A_23 = arith.constant 384 : i32
    %add3A_24 = arith.addi %mul3A_2, %add3A_23 : i32
    %run_scoped3A_25 = arith.constant 3 : i32
    "tpu.region"() ({
      %run_scoped3A_324 = tpu.sem_alloc : memref<!tpu.dma_semaphore, #tpu.memory_space<semaphore_mem>>
      %dma_start3A_325 = arith.constant 0 : i32
      %dma_start3A_326 = tpu.memref_slice %arg11[%run_scoped3A_25, %dma_start3A_325] : memref<4x128xi32, #tpu.memory_space<vmem>> -> memref<1x128xi32, #tpu.memory_space<vmem>>
      %dma_start3A_327 = tpu.memref_squeeze %dma_start3A_326 : memref<1x128xi32, #tpu.memory_space<vmem>> -> memref<128xi32, #tpu.memory_space<vmem>>
      %dma_start3A_328 = tpu.memref_slice %arg3[%add3A_24] : memref<16384xi32, #tpu.memory_space<hbm>> -> memref<128xi32, #tpu.memory_space<hbm>>
      %dma_start3A_329 = arith.constant 0 : i32
      %dma_start3A_330 = tpu.memref_slice %arg11[%run_scoped3A_25, %dma_start3A_329] : memref<4x128xi32, #tpu.memory_space<vmem>> -> memref<1x128xi32, #tpu.memory_space<vmem>>
      %dma_start3A_331 = tpu.memref_squeeze %dma_start3A_330 : memref<1x128xi32, #tpu.memory_space<vmem>> -> memref<128xi32, #tpu.memory_space<vmem>>
      %dma_start3A_332 = tpu.memref_slice %arg3[%add3A_24] : memref<16384xi32, #tpu.memory_space<hbm>> -> memref<128xi32, #tpu.memory_space<hbm>>
      tpu.enqueue_dma source(%dma_start3A_332 : memref<128xi32, #tpu.memory_space<hbm>>) target(%dma_start3A_331 : memref<128xi32, #tpu.memory_space<vmem>>) target_semaphore(%run_scoped3A_324 : memref<!tpu.dma_semaphore, #tpu.memory_space<semaphore_mem>>)
      %dma_wait3A_333 = arith.constant 0 : i32
      %dma_wait3A_334 = tpu.memref_slice %arg11[%run_scoped3A_25, %dma_wait3A_333] : memref<4x128xi32, #tpu.memory_space<vmem>> -> memref<1x128xi32, #tpu.memory_space<vmem>>
      %dma_wait3A_335 = tpu.memref_squeeze %dma_wait3A_334 : memref<1x128xi32, #tpu.memory_space<vmem>> -> memref<128xi32, #tpu.memory_space<vmem>>
      %dma_wait3A_336 = tpu.memref_slice %arg3[%add3A_24] : memref<16384xi32, #tpu.memory_space<hbm>> -> memref<128xi32, #tpu.memory_space<hbm>>
      %dma_wait3A_337 = arith.constant 0 : i32
      %dma_wait3A_338 = tpu.memref_slice %arg11[%run_scoped3A_25, %dma_wait3A_337] : memref<4x128xi32, #tpu.memory_space<vmem>> -> memref<1x128xi32, #tpu.memory_space<vmem>>
      %dma_wait3A_339 = tpu.memref_squeeze %dma_wait3A_338 : memref<1x128xi32, #tpu.memory_space<vmem>> -> memref<128xi32, #tpu.memory_space<vmem>>
      %dma_wait3A_340 = tpu.memref_slice %arg3[%add3A_24] : memref<16384xi32, #tpu.memory_space<hbm>> -> memref<128xi32, #tpu.memory_space<hbm>>
      tpu.wait_dma2 semaphore(%run_scoped3A_324 : memref<!tpu.dma_semaphore, #tpu.memory_space<semaphore_mem>>) src(%dma_wait3A_340 : memref<128xi32, #tpu.memory_space<hbm>>) dst(%dma_wait3A_339 : memref<128xi32, #tpu.memory_space<vmem>>)
      tpu.yield
    }) : () -> ()
    "tpu.region"() ({
      %run_scoped3A_324 = tpu.sem_alloc : memref<!tpu.dma_semaphore, #tpu.memory_space<semaphore_mem>>
      tpu.enqueue_dma source(%arg4 : memref<16xf32, #tpu.memory_space<hbm>>) target(%arg16 : memref<16xf32, #tpu.memory_space<vmem>>) target_semaphore(%run_scoped3A_324 : memref<!tpu.dma_semaphore, #tpu.memory_space<semaphore_mem>>)
      tpu.wait_dma2 semaphore(%run_scoped3A_324 : memref<!tpu.dma_semaphore, #tpu.memory_space<semaphore_mem>>) src(%arg4 : memref<16xf32, #tpu.memory_space<hbm>>) dst(%arg16 : memref<16xf32, #tpu.memory_space<vmem>>)
      tpu.yield
    }) : () -> ()
    %dma_start3A = arith.constant 0 : i32
    %dma_start3A_26 = arith.constant 0 : i32
    %dma_start3A_27 = arith.constant 0 : i32
    %dma_start3A_28 = tpu.memref_slice %arg12[%dma_start3A_26, %dma_start3A_27] : memref<512x32xf32, #tpu.memory_space<vmem>> -> memref<128x32xf32, #tpu.memory_space<vmem>>
    %dma_start3A_29 = arith.constant 0 : i32
    %dma_start3A_30 = tpu.memref_slice %arg10[%dma_start3A, %dma_start3A_29] : memref<4x128xi32, #tpu.memory_space<vmem>> -> memref<1x128xi32, #tpu.memory_space<vmem>>
    %dma_start3A_31 = tpu.memref_squeeze %dma_start3A_30 : memref<1x128xi32, #tpu.memory_space<vmem>> -> memref<128xi32, #tpu.memory_space<vmem>>
    %dma_start3A_32 = arith.constant 0 : i32
    %dma_start3A_33 = arith.constant 0 : i32
    %dma_start3A_34 = tpu.memref_slice %arg7[%dma_start3A_32, %dma_start3A_33] : memref<1000000x32xf32, #tpu.memory_space<hbm>> -> memref<1000000x32xf32, #tpu.memory_space<hbm>>
    tpu.enqueue_indirect_dma source(%dma_start3A_34 : memref<1000000x32xf32, #tpu.memory_space<hbm>>) target(%dma_start3A_28 : memref<128x32xf32, #tpu.memory_space<vmem>>) offsets(%dma_start3A_31 : memref<128xi32, #tpu.memory_space<vmem>>) semaphore(%arg19 : memref<!tpu.dma_semaphore, #tpu.memory_space<semaphore_mem>>)
    %dma_start3A_35 = arith.constant 0 : i32
    %dma_start3A_36 = arith.constant 0 : i32
    %dma_start3A_37 = arith.constant 0 : i32
    %dma_start3A_38 = tpu.memref_slice %arg13[%dma_start3A_36, %dma_start3A_37] : memref<512x32xf32, #tpu.memory_space<vmem>> -> memref<128x32xf32, #tpu.memory_space<vmem>>
    %dma_start3A_39 = arith.constant 0 : i32
    %dma_start3A_40 = tpu.memref_slice %arg11[%dma_start3A_35, %dma_start3A_39] : memref<4x128xi32, #tpu.memory_space<vmem>> -> memref<1x128xi32, #tpu.memory_space<vmem>>
    %dma_start3A_41 = tpu.memref_squeeze %dma_start3A_40 : memref<1x128xi32, #tpu.memory_space<vmem>> -> memref<128xi32, #tpu.memory_space<vmem>>
    %dma_start3A_42 = arith.constant 0 : i32
    %dma_start3A_43 = arith.constant 0 : i32
    %dma_start3A_44 = tpu.memref_slice %arg8[%dma_start3A_42, %dma_start3A_43] : memref<1000000x32xf32, #tpu.memory_space<hbm>> -> memref<1000000x32xf32, #tpu.memory_space<hbm>>
    tpu.enqueue_indirect_dma source(%dma_start3A_44 : memref<1000000x32xf32, #tpu.memory_space<hbm>>) target(%dma_start3A_38 : memref<128x32xf32, #tpu.memory_space<vmem>>) offsets(%dma_start3A_41 : memref<128xi32, #tpu.memory_space<vmem>>) semaphore(%arg19 : memref<!tpu.dma_semaphore, #tpu.memory_space<semaphore_mem>>)
    %dma_start3A_45 = arith.constant 0 : i32
    %dma_start3A_46 = arith.constant 0 : i32
    %dma_start3A_47 = tpu.memref_slice %arg14[%dma_start3A_46] : memref<512xf32, #tpu.memory_space<vmem>> -> memref<128xf32, #tpu.memory_space<vmem>>
    %dma_start3A_48 = arith.constant 0 : i32
    %dma_start3A_49 = tpu.memref_slice %arg10[%dma_start3A_45, %dma_start3A_48] : memref<4x128xi32, #tpu.memory_space<vmem>> -> memref<1x128xi32, #tpu.memory_space<vmem>>
    %dma_start3A_50 = tpu.memref_squeeze %dma_start3A_49 : memref<1x128xi32, #tpu.memory_space<vmem>> -> memref<128xi32, #tpu.memory_space<vmem>>
    %dma_start3A_51 = arith.constant 0 : i32
    %dma_start3A_52 = tpu.memref_slice %arg5[%dma_start3A_51] : memref<1000000xf32, #tpu.memory_space<hbm>> -> memref<1000000xf32, #tpu.memory_space<hbm>>
    tpu.enqueue_indirect_dma source(%dma_start3A_52 : memref<1000000xf32, #tpu.memory_space<hbm>>) target(%dma_start3A_47 : memref<128xf32, #tpu.memory_space<vmem>>) offsets(%dma_start3A_50 : memref<128xi32, #tpu.memory_space<vmem>>) semaphore(%arg19 : memref<!tpu.dma_semaphore, #tpu.memory_space<semaphore_mem>>)
    %dma_start3A_53 = arith.constant 0 : i32
    %dma_start3A_54 = arith.constant 0 : i32
    %dma_start3A_55 = tpu.memref_slice %arg15[%dma_start3A_54] : memref<512xf32, #tpu.memory_space<vmem>> -> memref<128xf32, #tpu.memory_space<vmem>>
    %dma_start3A_56 = arith.constant 0 : i32
    %dma_start3A_57 = tpu.memref_slice %arg11[%dma_start3A_53, %dma_start3A_56] : memref<4x128xi32, #tpu.memory_space<vmem>> -> memref<1x128xi32, #tpu.memory_space<vmem>>
    %dma_start3A_58 = tpu.memref_squeeze %dma_start3A_57 : memref<1x128xi32, #tpu.memory_space<vmem>> -> memref<128xi32, #tpu.memory_space<vmem>>
    %dma_start3A_59 = arith.constant 0 : i32
    %dma_start3A_60 = tpu.memref_slice %arg6[%dma_start3A_59] : memref<1000000xf32, #tpu.memory_space<hbm>> -> memref<1000000xf32, #tpu.memory_space<hbm>>
    tpu.enqueue_indirect_dma source(%dma_start3A_60 : memref<1000000xf32, #tpu.memory_space<hbm>>) target(%dma_start3A_55 : memref<128xf32, #tpu.memory_space<vmem>>) offsets(%dma_start3A_58 : memref<128xi32, #tpu.memory_space<vmem>>) semaphore(%arg19 : memref<!tpu.dma_semaphore, #tpu.memory_space<semaphore_mem>>)
    %dma_start3A_61 = arith.constant 1 : i32
    %dma_start3A_62 = arith.constant 128 : i32
    %dma_start3A_63 = arith.constant 0 : i32
    %dma_start3A_64 = tpu.memref_slice %arg12[%dma_start3A_62, %dma_start3A_63] : memref<512x32xf32, #tpu.memory_space<vmem>> -> memref<128x32xf32, #tpu.memory_space<vmem>>
    %dma_start3A_65 = arith.constant 0 : i32
    %dma_start3A_66 = tpu.memref_slice %arg10[%dma_start3A_61, %dma_start3A_65] : memref<4x128xi32, #tpu.memory_space<vmem>> -> memref<1x128xi32, #tpu.memory_space<vmem>>
    %dma_start3A_67 = tpu.memref_squeeze %dma_start3A_66 : memref<1x128xi32, #tpu.memory_space<vmem>> -> memref<128xi32, #tpu.memory_space<vmem>>
    %dma_start3A_68 = arith.constant 0 : i32
    %dma_start3A_69 = arith.constant 0 : i32
    %dma_start3A_70 = tpu.memref_slice %arg7[%dma_start3A_68, %dma_start3A_69] : memref<1000000x32xf32, #tpu.memory_space<hbm>> -> memref<1000000x32xf32, #tpu.memory_space<hbm>>
    tpu.enqueue_indirect_dma source(%dma_start3A_70 : memref<1000000x32xf32, #tpu.memory_space<hbm>>) target(%dma_start3A_64 : memref<128x32xf32, #tpu.memory_space<vmem>>) offsets(%dma_start3A_67 : memref<128xi32, #tpu.memory_space<vmem>>) semaphore(%arg19 : memref<!tpu.dma_semaphore, #tpu.memory_space<semaphore_mem>>)
    %dma_start3A_71 = arith.constant 1 : i32
    %dma_start3A_72 = arith.constant 128 : i32
    %dma_start3A_73 = arith.constant 0 : i32
    %dma_start3A_74 = tpu.memref_slice %arg13[%dma_start3A_72, %dma_start3A_73] : memref<512x32xf32, #tpu.memory_space<vmem>> -> memref<128x32xf32, #tpu.memory_space<vmem>>
    %dma_start3A_75 = arith.constant 0 : i32
    %dma_start3A_76 = tpu.memref_slice %arg11[%dma_start3A_71, %dma_start3A_75] : memref<4x128xi32, #tpu.memory_space<vmem>> -> memref<1x128xi32, #tpu.memory_space<vmem>>
    %dma_start3A_77 = tpu.memref_squeeze %dma_start3A_76 : memref<1x128xi32, #tpu.memory_space<vmem>> -> memref<128xi32, #tpu.memory_space<vmem>>
    %dma_start3A_78 = arith.constant 0 : i32
    %dma_start3A_79 = arith.constant 0 : i32
    %dma_start3A_80 = tpu.memref_slice %arg8[%dma_start3A_78, %dma_start3A_79] : memref<1000000x32xf32, #tpu.memory_space<hbm>> -> memref<1000000x32xf32, #tpu.memory_space<hbm>>
    tpu.enqueue_indirect_dma source(%dma_start3A_80 : memref<1000000x32xf32, #tpu.memory_space<hbm>>) target(%dma_start3A_74 : memref<128x32xf32, #tpu.memory_space<vmem>>) offsets(%dma_start3A_77 : memref<128xi32, #tpu.memory_space<vmem>>) semaphore(%arg19 : memref<!tpu.dma_semaphore, #tpu.memory_space<semaphore_mem>>)
    %dma_start3A_81 = arith.constant 1 : i32
    %dma_start3A_82 = arith.constant 128 : i32
    %dma_start3A_83 = tpu.memref_slice %arg14[%dma_start3A_82] : memref<512xf32, #tpu.memory_space<vmem>> -> memref<128xf32, #tpu.memory_space<vmem>>
    %dma_start3A_84 = arith.constant 0 : i32
    %dma_start3A_85 = tpu.memref_slice %arg10[%dma_start3A_81, %dma_start3A_84] : memref<4x128xi32, #tpu.memory_space<vmem>> -> memref<1x128xi32, #tpu.memory_space<vmem>>
    %dma_start3A_86 = tpu.memref_squeeze %dma_start3A_85 : memref<1x128xi32, #tpu.memory_space<vmem>> -> memref<128xi32, #tpu.memory_space<vmem>>
    %dma_start3A_87 = arith.constant 0 : i32
    %dma_start3A_88 = tpu.memref_slice %arg5[%dma_start3A_87] : memref<1000000xf32, #tpu.memory_space<hbm>> -> memref<1000000xf32, #tpu.memory_space<hbm>>
    tpu.enqueue_indirect_dma source(%dma_start3A_88 : memref<1000000xf32, #tpu.memory_space<hbm>>) target(%dma_start3A_83 : memref<128xf32, #tpu.memory_space<vmem>>) offsets(%dma_start3A_86 : memref<128xi32, #tpu.memory_space<vmem>>) semaphore(%arg19 : memref<!tpu.dma_semaphore, #tpu.memory_space<semaphore_mem>>)
    %dma_start3A_89 = arith.constant 1 : i32
    %dma_start3A_90 = arith.constant 128 : i32
    %dma_start3A_91 = tpu.memref_slice %arg15[%dma_start3A_90] : memref<512xf32, #tpu.memory_space<vmem>> -> memref<128xf32, #tpu.memory_space<vmem>>
    %dma_start3A_92 = arith.constant 0 : i32
    %dma_start3A_93 = tpu.memref_slice %arg11[%dma_start3A_89, %dma_start3A_92] : memref<4x128xi32, #tpu.memory_space<vmem>> -> memref<1x128xi32, #tpu.memory_space<vmem>>
    %dma_start3A_94 = tpu.memref_squeeze %dma_start3A_93 : memref<1x128xi32, #tpu.memory_space<vmem>> -> memref<128xi32, #tpu.memory_space<vmem>>
    %dma_start3A_95 = arith.constant 0 : i32
    %dma_start3A_96 = tpu.memref_slice %arg6[%dma_start3A_95] : memref<1000000xf32, #tpu.memory_space<hbm>> -> memref<1000000xf32, #tpu.memory_space<hbm>>
    tpu.enqueue_indirect_dma source(%dma_start3A_96 : memref<1000000xf32, #tpu.memory_space<hbm>>) target(%dma_start3A_91 : memref<128xf32, #tpu.memory_space<vmem>>) offsets(%dma_start3A_94 : memref<128xi32, #tpu.memory_space<vmem>>) semaphore(%arg19 : memref<!tpu.dma_semaphore, #tpu.memory_space<semaphore_mem>>)
    %dma_start3A_97 = arith.constant 2 : i32
    %dma_start3A_98 = arith.constant 256 : i32
    %dma_start3A_99 = arith.constant 0 : i32
    %dma_start3A_100 = tpu.memref_slice %arg12[%dma_start3A_98, %dma_start3A_99] : memref<512x32xf32, #tpu.memory_space<vmem>> -> memref<128x32xf32, #tpu.memory_space<vmem>>
    %dma_start3A_101 = arith.constant 0 : i32
    %dma_start3A_102 = tpu.memref_slice %arg10[%dma_start3A_97, %dma_start3A_101] : memref<4x128xi32, #tpu.memory_space<vmem>> -> memref<1x128xi32, #tpu.memory_space<vmem>>
    %dma_start3A_103 = tpu.memref_squeeze %dma_start3A_102 : memref<1x128xi32, #tpu.memory_space<vmem>> -> memref<128xi32, #tpu.memory_space<vmem>>
    %dma_start3A_104 = arith.constant 0 : i32
    %dma_start3A_105 = arith.constant 0 : i32
    %dma_start3A_106 = tpu.memref_slice %arg7[%dma_start3A_104, %dma_start3A_105] : memref<1000000x32xf32, #tpu.memory_space<hbm>> -> memref<1000000x32xf32, #tpu.memory_space<hbm>>
    tpu.enqueue_indirect_dma source(%dma_start3A_106 : memref<1000000x32xf32, #tpu.memory_space<hbm>>) target(%dma_start3A_100 : memref<128x32xf32, #tpu.memory_space<vmem>>) offsets(%dma_start3A_103 : memref<128xi32, #tpu.memory_space<vmem>>) semaphore(%arg19 : memref<!tpu.dma_semaphore, #tpu.memory_space<semaphore_mem>>)
    %dma_start3A_107 = arith.constant 2 : i32
    %dma_start3A_108 = arith.constant 256 : i32
    %dma_start3A_109 = arith.constant 0 : i32
    %dma_start3A_110 = tpu.memref_slice %arg13[%dma_start3A_108, %dma_start3A_109] : memref<512x32xf32, #tpu.memory_space<vmem>> -> memref<128x32xf32, #tpu.memory_space<vmem>>
    %dma_start3A_111 = arith.constant 0 : i32
    %dma_start3A_112 = tpu.memref_slice %arg11[%dma_start3A_107, %dma_start3A_111] : memref<4x128xi32, #tpu.memory_space<vmem>> -> memref<1x128xi32, #tpu.memory_space<vmem>>
    %dma_start3A_113 = tpu.memref_squeeze %dma_start3A_112 : memref<1x128xi32, #tpu.memory_space<vmem>> -> memref<128xi32, #tpu.memory_space<vmem>>
    %dma_start3A_114 = arith.constant 0 : i32
    %dma_start3A_115 = arith.constant 0 : i32
    %dma_start3A_116 = tpu.memref_slice %arg8[%dma_start3A_114, %dma_start3A_115] : memref<1000000x32xf32, #tpu.memory_space<hbm>> -> memref<1000000x32xf32, #tpu.memory_space<hbm>>
    tpu.enqueue_indirect_dma source(%dma_start3A_116 : memref<1000000x32xf32, #tpu.memory_space<hbm>>) target(%dma_start3A_110 : memref<128x32xf32, #tpu.memory_space<vmem>>) offsets(%dma_start3A_113 : memref<128xi32, #tpu.memory_space<vmem>>) semaphore(%arg19 : memref<!tpu.dma_semaphore, #tpu.memory_space<semaphore_mem>>)
    %dma_start3A_117 = arith.constant 2 : i32
    %dma_start3A_118 = arith.constant 256 : i32
    %dma_start3A_119 = tpu.memref_slice %arg14[%dma_start3A_118] : memref<512xf32, #tpu.memory_space<vmem>> -> memref<128xf32, #tpu.memory_space<vmem>>
    %dma_start3A_120 = arith.constant 0 : i32
    %dma_start3A_121 = tpu.memref_slice %arg10[%dma_start3A_117, %dma_start3A_120] : memref<4x128xi32, #tpu.memory_space<vmem>> -> memref<1x128xi32, #tpu.memory_space<vmem>>
    %dma_start3A_122 = tpu.memref_squeeze %dma_start3A_121 : memref<1x128xi32, #tpu.memory_space<vmem>> -> memref<128xi32, #tpu.memory_space<vmem>>
    %dma_start3A_123 = arith.constant 0 : i32
    %dma_start3A_124 = tpu.memref_slice %arg5[%dma_start3A_123] : memref<1000000xf32, #tpu.memory_space<hbm>> -> memref<1000000xf32, #tpu.memory_space<hbm>>
    tpu.enqueue_indirect_dma source(%dma_start3A_124 : memref<1000000xf32, #tpu.memory_space<hbm>>) target(%dma_start3A_119 : memref<128xf32, #tpu.memory_space<vmem>>) offsets(%dma_start3A_122 : memref<128xi32, #tpu.memory_space<vmem>>) semaphore(%arg19 : memref<!tpu.dma_semaphore, #tpu.memory_space<semaphore_mem>>)
    %dma_start3A_125 = arith.constant 2 : i32
    %dma_start3A_126 = arith.constant 256 : i32
    %dma_start3A_127 = tpu.memref_slice %arg15[%dma_start3A_126] : memref<512xf32, #tpu.memory_space<vmem>> -> memref<128xf32, #tpu.memory_space<vmem>>
    %dma_start3A_128 = arith.constant 0 : i32
    %dma_start3A_129 = tpu.memref_slice %arg11[%dma_start3A_125, %dma_start3A_128] : memref<4x128xi32, #tpu.memory_space<vmem>> -> memref<1x128xi32, #tpu.memory_space<vmem>>
    %dma_start3A_130 = tpu.memref_squeeze %dma_start3A_129 : memref<1x128xi32, #tpu.memory_space<vmem>> -> memref<128xi32, #tpu.memory_space<vmem>>
    %dma_start3A_131 = arith.constant 0 : i32
    %dma_start3A_132 = tpu.memref_slice %arg6[%dma_start3A_131] : memref<1000000xf32, #tpu.memory_space<hbm>> -> memref<1000000xf32, #tpu.memory_space<hbm>>
    tpu.enqueue_indirect_dma source(%dma_start3A_132 : memref<1000000xf32, #tpu.memory_space<hbm>>) target(%dma_start3A_127 : memref<128xf32, #tpu.memory_space<vmem>>) offsets(%dma_start3A_130 : memref<128xi32, #tpu.memory_space<vmem>>) semaphore(%arg19 : memref<!tpu.dma_semaphore, #tpu.memory_space<semaphore_mem>>)
    %dma_start3A_133 = arith.constant 3 : i32
    %dma_start3A_134 = arith.constant 384 : i32
    %dma_start3A_135 = arith.constant 0 : i32
    %dma_start3A_136 = tpu.memref_slice %arg12[%dma_start3A_134, %dma_start3A_135] : memref<512x32xf32, #tpu.memory_space<vmem>> -> memref<128x32xf32, #tpu.memory_space<vmem>>
    %dma_start3A_137 = arith.constant 0 : i32
    %dma_start3A_138 = tpu.memref_slice %arg10[%dma_start3A_133, %dma_start3A_137] : memref<4x128xi32, #tpu.memory_space<vmem>> -> memref<1x128xi32, #tpu.memory_space<vmem>>
    %dma_start3A_139 = tpu.memref_squeeze %dma_start3A_138 : memref<1x128xi32, #tpu.memory_space<vmem>> -> memref<128xi32, #tpu.memory_space<vmem>>
    %dma_start3A_140 = arith.constant 0 : i32
    %dma_start3A_141 = arith.constant 0 : i32
    %dma_start3A_142 = tpu.memref_slice %arg7[%dma_start3A_140, %dma_start3A_141] : memref<1000000x32xf32, #tpu.memory_space<hbm>> -> memref<1000000x32xf32, #tpu.memory_space<hbm>>
    tpu.enqueue_indirect_dma source(%dma_start3A_142 : memref<1000000x32xf32, #tpu.memory_space<hbm>>) target(%dma_start3A_136 : memref<128x32xf32, #tpu.memory_space<vmem>>) offsets(%dma_start3A_139 : memref<128xi32, #tpu.memory_space<vmem>>) semaphore(%arg19 : memref<!tpu.dma_semaphore, #tpu.memory_space<semaphore_mem>>)
    %dma_start3A_143 = arith.constant 3 : i32
    %dma_start3A_144 = arith.constant 384 : i32
    %dma_start3A_145 = arith.constant 0 : i32
    %dma_start3A_146 = tpu.memref_slice %arg13[%dma_start3A_144, %dma_start3A_145] : memref<512x32xf32, #tpu.memory_space<vmem>> -> memref<128x32xf32, #tpu.memory_space<vmem>>
    %dma_start3A_147 = arith.constant 0 : i32
    %dma_start3A_148 = tpu.memref_slice %arg11[%dma_start3A_143, %dma_start3A_147] : memref<4x128xi32, #tpu.memory_space<vmem>> -> memref<1x128xi32, #tpu.memory_space<vmem>>
    %dma_start3A_149 = tpu.memref_squeeze %dma_start3A_148 : memref<1x128xi32, #tpu.memory_space<vmem>> -> memref<128xi32, #tpu.memory_space<vmem>>
    %dma_start3A_150 = arith.constant 0 : i32
    %dma_start3A_151 = arith.constant 0 : i32
    %dma_start3A_152 = tpu.memref_slice %arg8[%dma_start3A_150, %dma_start3A_151] : memref<1000000x32xf32, #tpu.memory_space<hbm>> -> memref<1000000x32xf32, #tpu.memory_space<hbm>>
    tpu.enqueue_indirect_dma source(%dma_start3A_152 : memref<1000000x32xf32, #tpu.memory_space<hbm>>) target(%dma_start3A_146 : memref<128x32xf32, #tpu.memory_space<vmem>>) offsets(%dma_start3A_149 : memref<128xi32, #tpu.memory_space<vmem>>) semaphore(%arg19 : memref<!tpu.dma_semaphore, #tpu.memory_space<semaphore_mem>>)
    %dma_start3A_153 = arith.constant 3 : i32
    %dma_start3A_154 = arith.constant 384 : i32
    %dma_start3A_155 = tpu.memref_slice %arg14[%dma_start3A_154] : memref<512xf32, #tpu.memory_space<vmem>> -> memref<128xf32, #tpu.memory_space<vmem>>
    %dma_start3A_156 = arith.constant 0 : i32
    %dma_start3A_157 = tpu.memref_slice %arg10[%dma_start3A_153, %dma_start3A_156] : memref<4x128xi32, #tpu.memory_space<vmem>> -> memref<1x128xi32, #tpu.memory_space<vmem>>
    %dma_start3A_158 = tpu.memref_squeeze %dma_start3A_157 : memref<1x128xi32, #tpu.memory_space<vmem>> -> memref<128xi32, #tpu.memory_space<vmem>>
    %dma_start3A_159 = arith.constant 0 : i32
    %dma_start3A_160 = tpu.memref_slice %arg5[%dma_start3A_159] : memref<1000000xf32, #tpu.memory_space<hbm>> -> memref<1000000xf32, #tpu.memory_space<hbm>>
    tpu.enqueue_indirect_dma source(%dma_start3A_160 : memref<1000000xf32, #tpu.memory_space<hbm>>) target(%dma_start3A_155 : memref<128xf32, #tpu.memory_space<vmem>>) offsets(%dma_start3A_158 : memref<128xi32, #tpu.memory_space<vmem>>) semaphore(%arg19 : memref<!tpu.dma_semaphore, #tpu.memory_space<semaphore_mem>>)
    %dma_start3A_161 = arith.constant 3 : i32
    %dma_start3A_162 = arith.constant 384 : i32
    %dma_start3A_163 = tpu.memref_slice %arg15[%dma_start3A_162] : memref<512xf32, #tpu.memory_space<vmem>> -> memref<128xf32, #tpu.memory_space<vmem>>
    %dma_start3A_164 = arith.constant 0 : i32
    %dma_start3A_165 = tpu.memref_slice %arg11[%dma_start3A_161, %dma_start3A_164] : memref<4x128xi32, #tpu.memory_space<vmem>> -> memref<1x128xi32, #tpu.memory_space<vmem>>
    %dma_start3A_166 = tpu.memref_squeeze %dma_start3A_165 : memref<1x128xi32, #tpu.memory_space<vmem>> -> memref<128xi32, #tpu.memory_space<vmem>>
    %dma_start3A_167 = arith.constant 0 : i32
    %dma_start3A_168 = tpu.memref_slice %arg6[%dma_start3A_167] : memref<1000000xf32, #tpu.memory_space<hbm>> -> memref<1000000xf32, #tpu.memory_space<hbm>>
    tpu.enqueue_indirect_dma source(%dma_start3A_168 : memref<1000000xf32, #tpu.memory_space<hbm>>) target(%dma_start3A_163 : memref<128xf32, #tpu.memory_space<vmem>>) offsets(%dma_start3A_166 : memref<128xi32, #tpu.memory_space<vmem>>) semaphore(%arg19 : memref<!tpu.dma_semaphore, #tpu.memory_space<semaphore_mem>>)
    %dma_wait3A = arith.constant 0 : i32
    %dma_wait3A_169 = arith.constant 0 : i32
    %dma_wait3A_170 = arith.constant 0 : i32
    %dma_wait3A_171 = tpu.memref_slice %arg12[%dma_wait3A_169, %dma_wait3A_170] : memref<512x32xf32, #tpu.memory_space<vmem>> -> memref<128x32xf32, #tpu.memory_space<vmem>>
    %dma_wait3A_172 = arith.constant 0 : i32
    %dma_wait3A_173 = tpu.memref_slice %arg10[%dma_wait3A, %dma_wait3A_172] : memref<4x128xi32, #tpu.memory_space<vmem>> -> memref<1x128xi32, #tpu.memory_space<vmem>>
    %dma_wait3A_174 = tpu.memref_squeeze %dma_wait3A_173 : memref<1x128xi32, #tpu.memory_space<vmem>> -> memref<128xi32, #tpu.memory_space<vmem>>
    %dma_wait3A_175 = arith.constant 0 : i32
    %dma_wait3A_176 = arith.constant 0 : i32
    %dma_wait3A_177 = tpu.memref_slice %arg7[%dma_wait3A_175, %dma_wait3A_176] : memref<1000000x32xf32, #tpu.memory_space<hbm>> -> memref<1000000x32xf32, #tpu.memory_space<hbm>>
    tpu.wait_indirect_dma semaphore(%arg19 : memref<!tpu.dma_semaphore, #tpu.memory_space<semaphore_mem>>) src(%dma_wait3A_177 : memref<1000000x32xf32, #tpu.memory_space<hbm>>) dst(%dma_wait3A_171 : memref<128x32xf32, #tpu.memory_space<vmem>>)
    %dma_wait3A_178 = arith.constant 0 : i32
    %dma_wait3A_179 = arith.constant 0 : i32
    %dma_wait3A_180 = arith.constant 0 : i32
    %dma_wait3A_181 = tpu.memref_slice %arg13[%dma_wait3A_179, %dma_wait3A_180] : memref<512x32xf32, #tpu.memory_space<vmem>> -> memref<128x32xf32, #tpu.memory_space<vmem>>
    %dma_wait3A_182 = arith.constant 0 : i32
    %dma_wait3A_183 = tpu.memref_slice %arg11[%dma_wait3A_178, %dma_wait3A_182] : memref<4x128xi32, #tpu.memory_space<vmem>> -> memref<1x128xi32, #tpu.memory_space<vmem>>
    %dma_wait3A_184 = tpu.memref_squeeze %dma_wait3A_183 : memref<1x128xi32, #tpu.memory_space<vmem>> -> memref<128xi32, #tpu.memory_space<vmem>>
    %dma_wait3A_185 = arith.constant 0 : i32
    %dma_wait3A_186 = arith.constant 0 : i32
    %dma_wait3A_187 = tpu.memref_slice %arg8[%dma_wait3A_185, %dma_wait3A_186] : memref<1000000x32xf32, #tpu.memory_space<hbm>> -> memref<1000000x32xf32, #tpu.memory_space<hbm>>
    tpu.wait_indirect_dma semaphore(%arg19 : memref<!tpu.dma_semaphore, #tpu.memory_space<semaphore_mem>>) src(%dma_wait3A_187 : memref<1000000x32xf32, #tpu.memory_space<hbm>>) dst(%dma_wait3A_181 : memref<128x32xf32, #tpu.memory_space<vmem>>)
    %dma_wait3A_188 = arith.constant 0 : i32
    %dma_wait3A_189 = arith.constant 0 : i32
    %dma_wait3A_190 = tpu.memref_slice %arg14[%dma_wait3A_189] : memref<512xf32, #tpu.memory_space<vmem>> -> memref<128xf32, #tpu.memory_space<vmem>>
    %dma_wait3A_191 = arith.constant 0 : i32
    %dma_wait3A_192 = tpu.memref_slice %arg10[%dma_wait3A_188, %dma_wait3A_191] : memref<4x128xi32, #tpu.memory_space<vmem>> -> memref<1x128xi32, #tpu.memory_space<vmem>>
    %dma_wait3A_193 = tpu.memref_squeeze %dma_wait3A_192 : memref<1x128xi32, #tpu.memory_space<vmem>> -> memref<128xi32, #tpu.memory_space<vmem>>
    %dma_wait3A_194 = arith.constant 0 : i32
    %dma_wait3A_195 = tpu.memref_slice %arg5[%dma_wait3A_194] : memref<1000000xf32, #tpu.memory_space<hbm>> -> memref<1000000xf32, #tpu.memory_space<hbm>>
    tpu.wait_indirect_dma semaphore(%arg19 : memref<!tpu.dma_semaphore, #tpu.memory_space<semaphore_mem>>) src(%dma_wait3A_195 : memref<1000000xf32, #tpu.memory_space<hbm>>) dst(%dma_wait3A_190 : memref<128xf32, #tpu.memory_space<vmem>>)
    %dma_wait3A_196 = arith.constant 0 : i32
    %dma_wait3A_197 = arith.constant 0 : i32
    %dma_wait3A_198 = tpu.memref_slice %arg15[%dma_wait3A_197] : memref<512xf32, #tpu.memory_space<vmem>> -> memref<128xf32, #tpu.memory_space<vmem>>
    %dma_wait3A_199 = arith.constant 0 : i32
    %dma_wait3A_200 = tpu.memref_slice %arg11[%dma_wait3A_196, %dma_wait3A_199] : memref<4x128xi32, #tpu.memory_space<vmem>> -> memref<1x128xi32, #tpu.memory_space<vmem>>
    %dma_wait3A_201 = tpu.memref_squeeze %dma_wait3A_200 : memref<1x128xi32, #tpu.memory_space<vmem>> -> memref<128xi32, #tpu.memory_space<vmem>>
    %dma_wait3A_202 = arith.constant 0 : i32
    %dma_wait3A_203 = tpu.memref_slice %arg6[%dma_wait3A_202] : memref<1000000xf32, #tpu.memory_space<hbm>> -> memref<1000000xf32, #tpu.memory_space<hbm>>
    tpu.wait_indirect_dma semaphore(%arg19 : memref<!tpu.dma_semaphore, #tpu.memory_space<semaphore_mem>>) src(%dma_wait3A_203 : memref<1000000xf32, #tpu.memory_space<hbm>>) dst(%dma_wait3A_198 : memref<128xf32, #tpu.memory_space<vmem>>)
    %dma_wait3A_204 = arith.constant 1 : i32
    %dma_wait3A_205 = arith.constant 128 : i32
    %dma_wait3A_206 = arith.constant 0 : i32
    %dma_wait3A_207 = tpu.memref_slice %arg12[%dma_wait3A_205, %dma_wait3A_206] : memref<512x32xf32, #tpu.memory_space<vmem>> -> memref<128x32xf32, #tpu.memory_space<vmem>>
    %dma_wait3A_208 = arith.constant 0 : i32
    %dma_wait3A_209 = tpu.memref_slice %arg10[%dma_wait3A_204, %dma_wait3A_208] : memref<4x128xi32, #tpu.memory_space<vmem>> -> memref<1x128xi32, #tpu.memory_space<vmem>>
    %dma_wait3A_210 = tpu.memref_squeeze %dma_wait3A_209 : memref<1x128xi32, #tpu.memory_space<vmem>> -> memref<128xi32, #tpu.memory_space<vmem>>
    %dma_wait3A_211 = arith.constant 0 : i32
    %dma_wait3A_212 = arith.constant 0 : i32
    %dma_wait3A_213 = tpu.memref_slice %arg7[%dma_wait3A_211, %dma_wait3A_212] : memref<1000000x32xf32, #tpu.memory_space<hbm>> -> memref<1000000x32xf32, #tpu.memory_space<hbm>>
    tpu.wait_indirect_dma semaphore(%arg19 : memref<!tpu.dma_semaphore, #tpu.memory_space<semaphore_mem>>) src(%dma_wait3A_213 : memref<1000000x32xf32, #tpu.memory_space<hbm>>) dst(%dma_wait3A_207 : memref<128x32xf32, #tpu.memory_space<vmem>>)
    %dma_wait3A_214 = arith.constant 1 : i32
    %dma_wait3A_215 = arith.constant 128 : i32
    %dma_wait3A_216 = arith.constant 0 : i32
    %dma_wait3A_217 = tpu.memref_slice %arg13[%dma_wait3A_215, %dma_wait3A_216] : memref<512x32xf32, #tpu.memory_space<vmem>> -> memref<128x32xf32, #tpu.memory_space<vmem>>
    %dma_wait3A_218 = arith.constant 0 : i32
    %dma_wait3A_219 = tpu.memref_slice %arg11[%dma_wait3A_214, %dma_wait3A_218] : memref<4x128xi32, #tpu.memory_space<vmem>> -> memref<1x128xi32, #tpu.memory_space<vmem>>
    %dma_wait3A_220 = tpu.memref_squeeze %dma_wait3A_219 : memref<1x128xi32, #tpu.memory_space<vmem>> -> memref<128xi32, #tpu.memory_space<vmem>>
    %dma_wait3A_221 = arith.constant 0 : i32
    %dma_wait3A_222 = arith.constant 0 : i32
    %dma_wait3A_223 = tpu.memref_slice %arg8[%dma_wait3A_221, %dma_wait3A_222] : memref<1000000x32xf32, #tpu.memory_space<hbm>> -> memref<1000000x32xf32, #tpu.memory_space<hbm>>
    tpu.wait_indirect_dma semaphore(%arg19 : memref<!tpu.dma_semaphore, #tpu.memory_space<semaphore_mem>>) src(%dma_wait3A_223 : memref<1000000x32xf32, #tpu.memory_space<hbm>>) dst(%dma_wait3A_217 : memref<128x32xf32, #tpu.memory_space<vmem>>)
    %dma_wait3A_224 = arith.constant 1 : i32
    %dma_wait3A_225 = arith.constant 128 : i32
    %dma_wait3A_226 = tpu.memref_slice %arg14[%dma_wait3A_225] : memref<512xf32, #tpu.memory_space<vmem>> -> memref<128xf32, #tpu.memory_space<vmem>>
    %dma_wait3A_227 = arith.constant 0 : i32
    %dma_wait3A_228 = tpu.memref_slice %arg10[%dma_wait3A_224, %dma_wait3A_227] : memref<4x128xi32, #tpu.memory_space<vmem>> -> memref<1x128xi32, #tpu.memory_space<vmem>>
    %dma_wait3A_229 = tpu.memref_squeeze %dma_wait3A_228 : memref<1x128xi32, #tpu.memory_space<vmem>> -> memref<128xi32, #tpu.memory_space<vmem>>
    %dma_wait3A_230 = arith.constant 0 : i32
    %dma_wait3A_231 = tpu.memref_slice %arg5[%dma_wait3A_230] : memref<1000000xf32, #tpu.memory_space<hbm>> -> memref<1000000xf32, #tpu.memory_space<hbm>>
    tpu.wait_indirect_dma semaphore(%arg19 : memref<!tpu.dma_semaphore, #tpu.memory_space<semaphore_mem>>) src(%dma_wait3A_231 : memref<1000000xf32, #tpu.memory_space<hbm>>) dst(%dma_wait3A_226 : memref<128xf32, #tpu.memory_space<vmem>>)
    %dma_wait3A_232 = arith.constant 1 : i32
    %dma_wait3A_233 = arith.constant 128 : i32
    %dma_wait3A_234 = tpu.memref_slice %arg15[%dma_wait3A_233] : memref<512xf32, #tpu.memory_space<vmem>> -> memref<128xf32, #tpu.memory_space<vmem>>
    %dma_wait3A_235 = arith.constant 0 : i32
    %dma_wait3A_236 = tpu.memref_slice %arg11[%dma_wait3A_232, %dma_wait3A_235] : memref<4x128xi32, #tpu.memory_space<vmem>> -> memref<1x128xi32, #tpu.memory_space<vmem>>
    %dma_wait3A_237 = tpu.memref_squeeze %dma_wait3A_236 : memref<1x128xi32, #tpu.memory_space<vmem>> -> memref<128xi32, #tpu.memory_space<vmem>>
    %dma_wait3A_238 = arith.constant 0 : i32
    %dma_wait3A_239 = tpu.memref_slice %arg6[%dma_wait3A_238] : memref<1000000xf32, #tpu.memory_space<hbm>> -> memref<1000000xf32, #tpu.memory_space<hbm>>
    tpu.wait_indirect_dma semaphore(%arg19 : memref<!tpu.dma_semaphore, #tpu.memory_space<semaphore_mem>>) src(%dma_wait3A_239 : memref<1000000xf32, #tpu.memory_space<hbm>>) dst(%dma_wait3A_234 : memref<128xf32, #tpu.memory_space<vmem>>)
    %dma_wait3A_240 = arith.constant 2 : i32
    %dma_wait3A_241 = arith.constant 256 : i32
    %dma_wait3A_242 = arith.constant 0 : i32
    %dma_wait3A_243 = tpu.memref_slice %arg12[%dma_wait3A_241, %dma_wait3A_242] : memref<512x32xf32, #tpu.memory_space<vmem>> -> memref<128x32xf32, #tpu.memory_space<vmem>>
    %dma_wait3A_244 = arith.constant 0 : i32
    %dma_wait3A_245 = tpu.memref_slice %arg10[%dma_wait3A_240, %dma_wait3A_244] : memref<4x128xi32, #tpu.memory_space<vmem>> -> memref<1x128xi32, #tpu.memory_space<vmem>>
    %dma_wait3A_246 = tpu.memref_squeeze %dma_wait3A_245 : memref<1x128xi32, #tpu.memory_space<vmem>> -> memref<128xi32, #tpu.memory_space<vmem>>
    %dma_wait3A_247 = arith.constant 0 : i32
    %dma_wait3A_248 = arith.constant 0 : i32
    %dma_wait3A_249 = tpu.memref_slice %arg7[%dma_wait3A_247, %dma_wait3A_248] : memref<1000000x32xf32, #tpu.memory_space<hbm>> -> memref<1000000x32xf32, #tpu.memory_space<hbm>>
    tpu.wait_indirect_dma semaphore(%arg19 : memref<!tpu.dma_semaphore, #tpu.memory_space<semaphore_mem>>) src(%dma_wait3A_249 : memref<1000000x32xf32, #tpu.memory_space<hbm>>) dst(%dma_wait3A_243 : memref<128x32xf32, #tpu.memory_space<vmem>>)
    %dma_wait3A_250 = arith.constant 2 : i32
    %dma_wait3A_251 = arith.constant 256 : i32
    %dma_wait3A_252 = arith.constant 0 : i32
    %dma_wait3A_253 = tpu.memref_slice %arg13[%dma_wait3A_251, %dma_wait3A_252] : memref<512x32xf32, #tpu.memory_space<vmem>> -> memref<128x32xf32, #tpu.memory_space<vmem>>
    %dma_wait3A_254 = arith.constant 0 : i32
    %dma_wait3A_255 = tpu.memref_slice %arg11[%dma_wait3A_250, %dma_wait3A_254] : memref<4x128xi32, #tpu.memory_space<vmem>> -> memref<1x128xi32, #tpu.memory_space<vmem>>
    %dma_wait3A_256 = tpu.memref_squeeze %dma_wait3A_255 : memref<1x128xi32, #tpu.memory_space<vmem>> -> memref<128xi32, #tpu.memory_space<vmem>>
    %dma_wait3A_257 = arith.constant 0 : i32
    %dma_wait3A_258 = arith.constant 0 : i32
    %dma_wait3A_259 = tpu.memref_slice %arg8[%dma_wait3A_257, %dma_wait3A_258] : memref<1000000x32xf32, #tpu.memory_space<hbm>> -> memref<1000000x32xf32, #tpu.memory_space<hbm>>
    tpu.wait_indirect_dma semaphore(%arg19 : memref<!tpu.dma_semaphore, #tpu.memory_space<semaphore_mem>>) src(%dma_wait3A_259 : memref<1000000x32xf32, #tpu.memory_space<hbm>>) dst(%dma_wait3A_253 : memref<128x32xf32, #tpu.memory_space<vmem>>)
    %dma_wait3A_260 = arith.constant 2 : i32
    %dma_wait3A_261 = arith.constant 256 : i32
    %dma_wait3A_262 = tpu.memref_slice %arg14[%dma_wait3A_261] : memref<512xf32, #tpu.memory_space<vmem>> -> memref<128xf32, #tpu.memory_space<vmem>>
    %dma_wait3A_263 = arith.constant 0 : i32
    %dma_wait3A_264 = tpu.memref_slice %arg10[%dma_wait3A_260, %dma_wait3A_263] : memref<4x128xi32, #tpu.memory_space<vmem>> -> memref<1x128xi32, #tpu.memory_space<vmem>>
    %dma_wait3A_265 = tpu.memref_squeeze %dma_wait3A_264 : memref<1x128xi32, #tpu.memory_space<vmem>> -> memref<128xi32, #tpu.memory_space<vmem>>
    %dma_wait3A_266 = arith.constant 0 : i32
    %dma_wait3A_267 = tpu.memref_slice %arg5[%dma_wait3A_266] : memref<1000000xf32, #tpu.memory_space<hbm>> -> memref<1000000xf32, #tpu.memory_space<hbm>>
    tpu.wait_indirect_dma semaphore(%arg19 : memref<!tpu.dma_semaphore, #tpu.memory_space<semaphore_mem>>) src(%dma_wait3A_267 : memref<1000000xf32, #tpu.memory_space<hbm>>) dst(%dma_wait3A_262 : memref<128xf32, #tpu.memory_space<vmem>>)
    %dma_wait3A_268 = arith.constant 2 : i32
    %dma_wait3A_269 = arith.constant 256 : i32
    %dma_wait3A_270 = tpu.memref_slice %arg15[%dma_wait3A_269] : memref<512xf32, #tpu.memory_space<vmem>> -> memref<128xf32, #tpu.memory_space<vmem>>
    %dma_wait3A_271 = arith.constant 0 : i32
    %dma_wait3A_272 = tpu.memref_slice %arg11[%dma_wait3A_268, %dma_wait3A_271] : memref<4x128xi32, #tpu.memory_space<vmem>> -> memref<1x128xi32, #tpu.memory_space<vmem>>
    %dma_wait3A_273 = tpu.memref_squeeze %dma_wait3A_272 : memref<1x128xi32, #tpu.memory_space<vmem>> -> memref<128xi32, #tpu.memory_space<vmem>>
    %dma_wait3A_274 = arith.constant 0 : i32
    %dma_wait3A_275 = tpu.memref_slice %arg6[%dma_wait3A_274] : memref<1000000xf32, #tpu.memory_space<hbm>> -> memref<1000000xf32, #tpu.memory_space<hbm>>
    tpu.wait_indirect_dma semaphore(%arg19 : memref<!tpu.dma_semaphore, #tpu.memory_space<semaphore_mem>>) src(%dma_wait3A_275 : memref<1000000xf32, #tpu.memory_space<hbm>>) dst(%dma_wait3A_270 : memref<128xf32, #tpu.memory_space<vmem>>)
    %dma_wait3A_276 = arith.constant 3 : i32
    %dma_wait3A_277 = arith.constant 384 : i32
    %dma_wait3A_278 = arith.constant 0 : i32
    %dma_wait3A_279 = tpu.memref_slice %arg12[%dma_wait3A_277, %dma_wait3A_278] : memref<512x32xf32, #tpu.memory_space<vmem>> -> memref<128x32xf32, #tpu.memory_space<vmem>>
    %dma_wait3A_280 = arith.constant 0 : i32
    %dma_wait3A_281 = tpu.memref_slice %arg10[%dma_wait3A_276, %dma_wait3A_280] : memref<4x128xi32, #tpu.memory_space<vmem>> -> memref<1x128xi32, #tpu.memory_space<vmem>>
    %dma_wait3A_282 = tpu.memref_squeeze %dma_wait3A_281 : memref<1x128xi32, #tpu.memory_space<vmem>> -> memref<128xi32, #tpu.memory_space<vmem>>
    %dma_wait3A_283 = arith.constant 0 : i32
    %dma_wait3A_284 = arith.constant 0 : i32
    %dma_wait3A_285 = tpu.memref_slice %arg7[%dma_wait3A_283, %dma_wait3A_284] : memref<1000000x32xf32, #tpu.memory_space<hbm>> -> memref<1000000x32xf32, #tpu.memory_space<hbm>>
    tpu.wait_indirect_dma semaphore(%arg19 : memref<!tpu.dma_semaphore, #tpu.memory_space<semaphore_mem>>) src(%dma_wait3A_285 : memref<1000000x32xf32, #tpu.memory_space<hbm>>) dst(%dma_wait3A_279 : memref<128x32xf32, #tpu.memory_space<vmem>>)
    %dma_wait3A_286 = arith.constant 3 : i32
    %dma_wait3A_287 = arith.constant 384 : i32
    %dma_wait3A_288 = arith.constant 0 : i32
    %dma_wait3A_289 = tpu.memref_slice %arg13[%dma_wait3A_287, %dma_wait3A_288] : memref<512x32xf32, #tpu.memory_space<vmem>> -> memref<128x32xf32, #tpu.memory_space<vmem>>
    %dma_wait3A_290 = arith.constant 0 : i32
    %dma_wait3A_291 = tpu.memref_slice %arg11[%dma_wait3A_286, %dma_wait3A_290] : memref<4x128xi32, #tpu.memory_space<vmem>> -> memref<1x128xi32, #tpu.memory_space<vmem>>
    %dma_wait3A_292 = tpu.memref_squeeze %dma_wait3A_291 : memref<1x128xi32, #tpu.memory_space<vmem>> -> memref<128xi32, #tpu.memory_space<vmem>>
    %dma_wait3A_293 = arith.constant 0 : i32
    %dma_wait3A_294 = arith.constant 0 : i32
    %dma_wait3A_295 = tpu.memref_slice %arg8[%dma_wait3A_293, %dma_wait3A_294] : memref<1000000x32xf32, #tpu.memory_space<hbm>> -> memref<1000000x32xf32, #tpu.memory_space<hbm>>
    tpu.wait_indirect_dma semaphore(%arg19 : memref<!tpu.dma_semaphore, #tpu.memory_space<semaphore_mem>>) src(%dma_wait3A_295 : memref<1000000x32xf32, #tpu.memory_space<hbm>>) dst(%dma_wait3A_289 : memref<128x32xf32, #tpu.memory_space<vmem>>)
    %dma_wait3A_296 = arith.constant 3 : i32
    %dma_wait3A_297 = arith.constant 384 : i32
    %dma_wait3A_298 = tpu.memref_slice %arg14[%dma_wait3A_297] : memref<512xf32, #tpu.memory_space<vmem>> -> memref<128xf32, #tpu.memory_space<vmem>>
    %dma_wait3A_299 = arith.constant 0 : i32
    %dma_wait3A_300 = tpu.memref_slice %arg10[%dma_wait3A_296, %dma_wait3A_299] : memref<4x128xi32, #tpu.memory_space<vmem>> -> memref<1x128xi32, #tpu.memory_space<vmem>>
    %dma_wait3A_301 = tpu.memref_squeeze %dma_wait3A_300 : memref<1x128xi32, #tpu.memory_space<vmem>> -> memref<128xi32, #tpu.memory_space<vmem>>
    %dma_wait3A_302 = arith.constant 0 : i32
    %dma_wait3A_303 = tpu.memref_slice %arg5[%dma_wait3A_302] : memref<1000000xf32, #tpu.memory_space<hbm>> -> memref<1000000xf32, #tpu.memory_space<hbm>>
    tpu.wait_indirect_dma semaphore(%arg19 : memref<!tpu.dma_semaphore, #tpu.memory_space<semaphore_mem>>) src(%dma_wait3A_303 : memref<1000000xf32, #tpu.memory_space<hbm>>) dst(%dma_wait3A_298 : memref<128xf32, #tpu.memory_space<vmem>>)
    %dma_wait3A_304 = arith.constant 3 : i32
    %dma_wait3A_305 = arith.constant 384 : i32
    %dma_wait3A_306 = tpu.memref_slice %arg15[%dma_wait3A_305] : memref<512xf32, #tpu.memory_space<vmem>> -> memref<128xf32, #tpu.memory_space<vmem>>
    %dma_wait3A_307 = arith.constant 0 : i32
    %dma_wait3A_308 = tpu.memref_slice %arg11[%dma_wait3A_304, %dma_wait3A_307] : memref<4x128xi32, #tpu.memory_space<vmem>> -> memref<1x128xi32, #tpu.memory_space<vmem>>
    %dma_wait3A_309 = tpu.memref_squeeze %dma_wait3A_308 : memref<1x128xi32, #tpu.memory_space<vmem>> -> memref<128xi32, #tpu.memory_space<vmem>>
    %dma_wait3A_310 = arith.constant 0 : i32
    %dma_wait3A_311 = tpu.memref_slice %arg6[%dma_wait3A_310] : memref<1000000xf32, #tpu.memory_space<hbm>> -> memref<1000000xf32, #tpu.memory_space<hbm>>
    tpu.wait_indirect_dma semaphore(%arg19 : memref<!tpu.dma_semaphore, #tpu.memory_space<semaphore_mem>>) src(%dma_wait3A_311 : memref<1000000xf32, #tpu.memory_space<hbm>>) dst(%dma_wait3A_306 : memref<128xf32, #tpu.memory_space<vmem>>)
    %iota3A = tpu.iota {dimensions = array<i32: 0>} : vector<16xi32>
    %scan3A = arith.constant 0 : i32
    %scan3A_312 = arith.constant 0 : i32
    %scan3A_313 = arith.constant 512 : i32
    %scan3A_314 = arith.addi %scan3A_312, %scan3A_313 : i32
    %scan3A_315 = arith.constant 1 : i32
    scf.for %scan3A_324 = %scan3A_312 to %scan3A_314 step %scan3A_315  : i32 {
      %get3A_325 = arith.index_cast %scan3A_324 : i32 to index
      %get3A_326 = arith.constant 0 : index
      %get3A_327 = tpu.vector_load %arg12[%get3A_325, %get3A_326] {strides = array<i32>} : memref<512x32xf32, #tpu.memory_space<vmem>>, vector<16xf32>,
      %get3A_328 = arith.index_cast %scan3A_324 : i32 to index
      %get3A_329 = arith.constant 16 : index
      %get3A_330 = tpu.vector_load %arg12[%get3A_328, %get3A_329] {strides = array<i32>} : memref<512x32xf32, #tpu.memory_space<vmem>>, vector<16xf32>,
      %get3A_331 = arith.index_cast %scan3A_324 : i32 to index
      %get3A_332 = arith.constant 0 : index
      %get3A_333 = tpu.vector_load %arg13[%get3A_331, %get3A_332] {strides = array<i32>} : memref<512x32xf32, #tpu.memory_space<vmem>>, vector<16xf32>,
      %get3A_334 = arith.index_cast %scan3A_324 : i32 to index
      %get3A_335 = arith.constant 16 : index
      %get3A_336 = tpu.vector_load %arg13[%get3A_334, %get3A_335] {strides = array<i32>} : memref<512x32xf32, #tpu.memory_space<vmem>>, vector<16xf32>,
      %mul3A_337 = arith.mulf %get3A_327, %get3A_333 : vector<16xf32>
      %mul3A_338 = arith.mulf %get3A_330, %get3A_336 : vector<16xf32>
      %add3A_339 = arith.addf %mul3A_337, %mul3A_338 : vector<16xf32>
      %mul3A_340 = arith.constant 512 : i32
      %mul3A_341 = vector.broadcast %mul3A_340 : i32 to vector<16xi32>
      %mul3A_342 = arith.muli %iota3A, %mul3A_341 : vector<16xi32>
      %add3A_343 = vector.broadcast %scan3A_324 : i32 to vector<16xi32>
      %add3A_344 = arith.addi %mul3A_342, %add3A_343 : vector<16xi32>
      tpu.vector_store_idx %arg17[%add3A_344], %add3A_339 : memref<8192xf32, #tpu.memory_space<vmem>>[vector<16xi32>], vector<16xf32>,
    }
    %scan3A_316 = arith.constant 512 : i32
    %get3A = arith.constant 0 : index
    %get3A_317 = tpu.vector_load %arg16[%get3A] {strides = array<i32>} : memref<16xf32, #tpu.memory_space<vmem>>, vector<16xf32>,
    %scan3A_318 = arith.constant 0 : i32
    %scan3A_319 = arith.constant 0 : i32
    %scan3A_320 = arith.constant 32 : i32
    %scan3A_321 = arith.addi %scan3A_319, %scan3A_320 : i32
    %scan3A_322 = arith.constant 1 : i32
    scf.for %scan3A_324 = %scan3A_319 to %scan3A_321 step %scan3A_322  : i32 {
      %mul3A_325 = arith.constant 16 : i32
      %mul3A_326 = arith.muli %scan3A_324, %mul3A_325 : i32
      %get3A_327 = arith.index_cast %mul3A_326 : i32 to index
      %get3A_328 = tpu.vector_load %arg14[%get3A_327] {strides = array<i32>} : memref<512xf32, #tpu.memory_space<vmem>>, vector<16xf32>,
      %get3A_329 = arith.index_cast %mul3A_326 : i32 to index
      %get3A_330 = tpu.vector_load %arg15[%get3A_329] {strides = array<i32>} : memref<512xf32, #tpu.memory_space<vmem>>, vector<16xf32>,
      %add3A_331 = arith.addf %get3A_328, %get3A_330 : vector<16xf32>
      %add3A_332 = arith.addf %add3A_331, %get3A_317 : vector<16xf32>
      %mul3A_333 = arith.constant 16 : i32
      %mul3A_334 = arith.muli %scan3A_324, %mul3A_333 : i32
      %add3A_335 = arith.constant 0 : i32
      %add3A_336 = arith.addi %add3A_335, %mul3A_334 : i32
      %get3A_337 = arith.index_cast %add3A_336 : i32 to index
      %get3A_338 = tpu.vector_load %arg17[%get3A_337] {strides = array<i32>} : memref<8192xf32, #tpu.memory_space<vmem>>, vector<16xf32>,
      %add3A_339 = arith.addf %add3A_332, %get3A_338 : vector<16xf32>
      %mul3A_340 = arith.constant 16 : i32
      %mul3A_341 = arith.muli %scan3A_324, %mul3A_340 : i32
      %add3A_342 = arith.constant 512 : i32
      %add3A_343 = arith.addi %add3A_342, %mul3A_341 : i32
      %get3A_344 = arith.index_cast %add3A_343 : i32 to index
      %get3A_345 = tpu.vector_load %arg17[%get3A_344] {strides = array<i32>} : memref<8192xf32, #tpu.memory_space<vmem>>, vector<16xf32>,
      %add3A_346 = arith.addf %add3A_339, %get3A_345 : vector<16xf32>
      %mul3A_347 = arith.constant 16 : i32
      %mul3A_348 = arith.muli %scan3A_324, %mul3A_347 : i32
      %add3A_349 = arith.constant 1024 : i32
      %add3A_350 = arith.addi %add3A_349, %mul3A_348 : i32
      %get3A_351 = arith.index_cast %add3A_350 : i32 to index
      %get3A_352 = tpu.vector_load %arg17[%get3A_351] {strides = array<i32>} : memref<8192xf32, #tpu.memory_space<vmem>>, vector<16xf32>,
      %add3A_353 = arith.addf %add3A_346, %get3A_352 : vector<16xf32>
      %mul3A_354 = arith.constant 16 : i32
      %mul3A_355 = arith.muli %scan3A_324, %mul3A_354 : i32
      %add3A_356 = arith.constant 1536 : i32
      %add3A_357 = arith.addi %add3A_356, %mul3A_355 : i32
      %get3A_358 = arith.index_cast %add3A_357 : i32 to index
      %get3A_359 = tpu.vector_load %arg17[%get3A_358] {strides = array<i32>} : memref<8192xf32, #tpu.memory_space<vmem>>, vector<16xf32>,
      %add3A_360 = arith.addf %add3A_353, %get3A_359 : vector<16xf32>
      %mul3A_361 = arith.constant 16 : i32
      %mul3A_362 = arith.muli %scan3A_324, %mul3A_361 : i32
      %add3A_363 = arith.constant 2048 : i32
      %add3A_364 = arith.addi %add3A_363, %mul3A_362 : i32
      %get3A_365 = arith.index_cast %add3A_364 : i32 to index
      %get3A_366 = tpu.vector_load %arg17[%get3A_365] {strides = array<i32>} : memref<8192xf32, #tpu.memory_space<vmem>>, vector<16xf32>,
      %add3A_367 = arith.addf %add3A_360, %get3A_366 : vector<16xf32>
      %mul3A_368 = arith.constant 16 : i32
      %mul3A_369 = arith.muli %scan3A_324, %mul3A_368 : i32
      %add3A_370 = arith.constant 2560 : i32
      %add3A_371 = arith.addi %add3A_370, %mul3A_369 : i32
      %get3A_372 = arith.index_cast %add3A_371 : i32 to index
      %get3A_373 = tpu.vector_load %arg17[%get3A_372] {strides = array<i32>} : memref<8192xf32, #tpu.memory_space<vmem>>, vector<16xf32>,
      %add3A_374 = arith.addf %add3A_367, %get3A_373 : vector<16xf32>
      %mul3A_375 = arith.constant 16 : i32
      %mul3A_376 = arith.muli %scan3A_324, %mul3A_375 : i32
      %add3A_377 = arith.constant 3072 : i32
      %add3A_378 = arith.addi %add3A_377, %mul3A_376 : i32
      %get3A_379 = arith.index_cast %add3A_378 : i32 to index
      %get3A_380 = tpu.vector_load %arg17[%get3A_379] {strides = array<i32>} : memref<8192xf32, #tpu.memory_space<vmem>>, vector<16xf32>,
      %add3A_381 = arith.addf %add3A_374, %get3A_380 : vector<16xf32>
      %mul3A_382 = arith.constant 16 : i32
      %mul3A_383 = arith.muli %scan3A_324, %mul3A_382 : i32
      %add3A_384 = arith.constant 3584 : i32
      %add3A_385 = arith.addi %add3A_384, %mul3A_383 : i32
      %get3A_386 = arith.index_cast %add3A_385 : i32 to index
      %get3A_387 = tpu.vector_load %arg17[%get3A_386] {strides = array<i32>} : memref<8192xf32, #tpu.memory_space<vmem>>, vector<16xf32>,
      %add3A_388 = arith.addf %add3A_381, %get3A_387 : vector<16xf32>
      %mul3A_389 = arith.constant 16 : i32
      %mul3A_390 = arith.muli %scan3A_324, %mul3A_389 : i32
      %add3A_391 = arith.constant 4096 : i32
      %add3A_392 = arith.addi %add3A_391, %mul3A_390 : i32
      %get3A_393 = arith.index_cast %add3A_392 : i32 to index
      %get3A_394 = tpu.vector_load %arg17[%get3A_393] {strides = array<i32>} : memref<8192xf32, #tpu.memory_space<vmem>>, vector<16xf32>,
      %add3A_395 = arith.addf %add3A_388, %get3A_394 : vector<16xf32>
      %mul3A_396 = arith.constant 16 : i32
      %mul3A_397 = arith.muli %scan3A_324, %mul3A_396 : i32
      %add3A_398 = arith.constant 4608 : i32
      %add3A_399 = arith.addi %add3A_398, %mul3A_397 : i32
      %get3A_400 = arith.index_cast %add3A_399 : i32 to index
      %get3A_401 = tpu.vector_load %arg17[%get3A_400] {strides = array<i32>} : memref<8192xf32, #tpu.memory_space<vmem>>, vector<16xf32>,
      %add3A_402 = arith.addf %add3A_395, %get3A_401 : vector<16xf32>
      %mul3A_403 = arith.constant 16 : i32
      %mul3A_404 = arith.muli %scan3A_324, %mul3A_403 : i32
      %add3A_405 = arith.constant 5120 : i32
      %add3A_406 = arith.addi %add3A_405, %mul3A_404 : i32
      %get3A_407 = arith.index_cast %add3A_406 : i32 to index
      %get3A_408 = tpu.vector_load %arg17[%get3A_407] {strides = array<i32>} : memref<8192xf32, #tpu.memory_space<vmem>>, vector<16xf32>,
      %add3A_409 = arith.addf %add3A_402, %get3A_408 : vector<16xf32>
      %mul3A_410 = arith.constant 16 : i32
      %mul3A_411 = arith.muli %scan3A_324, %mul3A_410 : i32
      %add3A_412 = arith.constant 5632 : i32
      %add3A_413 = arith.addi %add3A_412, %mul3A_411 : i32
      %get3A_414 = arith.index_cast %add3A_413 : i32 to index
      %get3A_415 = tpu.vector_load %arg17[%get3A_414] {strides = array<i32>} : memref<8192xf32, #tpu.memory_space<vmem>>, vector<16xf32>,
      %add3A_416 = arith.addf %add3A_409, %get3A_415 : vector<16xf32>
      %mul3A_417 = arith.constant 16 : i32
      %mul3A_418 = arith.muli %scan3A_324, %mul3A_417 : i32
      %add3A_419 = arith.constant 6144 : i32
      %add3A_420 = arith.addi %add3A_419, %mul3A_418 : i32
      %get3A_421 = arith.index_cast %add3A_420 : i32 to index
      %get3A_422 = tpu.vector_load %arg17[%get3A_421] {strides = array<i32>} : memref<8192xf32, #tpu.memory_space<vmem>>, vector<16xf32>,
      %add3A_423 = arith.addf %add3A_416, %get3A_422 : vector<16xf32>
      %mul3A_424 = arith.constant 16 : i32
      %mul3A_425 = arith.muli %scan3A_324, %mul3A_424 : i32
      %add3A_426 = arith.constant 6656 : i32
      %add3A_427 = arith.addi %add3A_426, %mul3A_425 : i32
      %get3A_428 = arith.index_cast %add3A_427 : i32 to index
      %get3A_429 = tpu.vector_load %arg17[%get3A_428] {strides = array<i32>} : memref<8192xf32, #tpu.memory_space<vmem>>, vector<16xf32>,
      %add3A_430 = arith.addf %add3A_423, %get3A_429 : vector<16xf32>
      %mul3A_431 = arith.constant 16 : i32
      %mul3A_432 = arith.muli %scan3A_324, %mul3A_431 : i32
      %add3A_433 = arith.constant 7168 : i32
      %add3A_434 = arith.addi %add3A_433, %mul3A_432 : i32
      %get3A_435 = arith.index_cast %add3A_434 : i32 to index
      %get3A_436 = tpu.vector_load %arg17[%get3A_435] {strides = array<i32>} : memref<8192xf32, #tpu.memory_space<vmem>>, vector<16xf32>,
      %add3A_437 = arith.addf %add3A_430, %get3A_436 : vector<16xf32>
      %mul3A_438 = arith.constant 16 : i32
      %mul3A_439 = arith.muli %scan3A_324, %mul3A_438 : i32
      %add3A_440 = arith.constant 7680 : i32
      %add3A_441 = arith.addi %add3A_440, %mul3A_439 : i32
      %get3A_442 = arith.index_cast %add3A_441 : i32 to index
      %get3A_443 = tpu.vector_load %arg17[%get3A_442] {strides = array<i32>} : memref<8192xf32, #tpu.memory_space<vmem>>, vector<16xf32>,
      %add3A_444 = arith.addf %add3A_437, %get3A_443 : vector<16xf32>
      %swap3A = arith.index_cast %mul3A_326 : i32 to index
      %swap3A_445 = tpu.vector_load %arg18[%swap3A] {strides = array<i32>} : memref<512xf32, #tpu.memory_space<vmem>>, vector<16xf32>,
      tpu.vector_store %arg18[%swap3A], %add3A_444 {strides = array<i32>} : memref<512xf32, #tpu.memory_space<vmem>>, vector<16xf32>,
    }
    %scan3A_323 = arith.constant 32 : i32
    "tpu.region"() ({
      %run_scoped3A_324 = tpu.sem_alloc : memref<!tpu.dma_semaphore, #tpu.memory_space<semaphore_mem>>
      %dma_start3A_325 = tpu.memref_slice %arg9[%mul3A_2] : memref<16384xf32, #tpu.memory_space<hbm>> -> memref<512xf32, #tpu.memory_space<hbm>>
      %dma_start3A_326 = tpu.memref_slice %arg9[%mul3A_2] : memref<16384xf32, #tpu.memory_space<hbm>> -> memref<512xf32, #tpu.memory_space<hbm>>
      tpu.enqueue_dma source(%arg18 : memref<512xf32, #tpu.memory_space<vmem>>) target(%dma_start3A_326 : memref<512xf32, #tpu.memory_space<hbm>>) target_semaphore(%run_scoped3A_324 : memref<!tpu.dma_semaphore, #tpu.memory_space<semaphore_mem>>)
      %dma_wait3A_327 = tpu.memref_slice %arg9[%mul3A_2] : memref<16384xf32, #tpu.memory_space<hbm>> -> memref<512xf32, #tpu.memory_space<hbm>>
      %dma_wait3A_328 = tpu.memref_slice %arg9[%mul3A_2] : memref<16384xf32, #tpu.memory_space<hbm>> -> memref<512xf32, #tpu.memory_space<hbm>>
      tpu.wait_dma2 semaphore(%run_scoped3A_324 : memref<!tpu.dma_semaphore, #tpu.memory_space<semaphore_mem>>) src(%arg18 : memref<512xf32, #tpu.memory_space<vmem>>) dst(%dma_wait3A_328 : memref<512xf32, #tpu.memory_space<hbm>>)
      tpu.yield
    }) : () -> ()
    return
  }
}

</mosaic_0001>

<sc_bundles>
// kernel: kernel.3.cloned.1.call-start
scs
__scs_entry_jumppad:
0x0: {  	(pc) =	sbr.rel $0x88, $3  }
0x1: {  	(tag) =	ssettag $0x0;
	lr =	simm.s32 $0x1  }
0x2: {  	[smem:$0x3F9A] =	sst lr;
	_ =	strace $0xD0000000  }
0x3: {  	_ = 	snop  }
0x4: {  	_ = 	snop  }
0x5: {  	_ = 	snop  }
0x6: {  	_ = 	snop  }
0x7: {  	_ = 	snop  }
__scs_overlays_trampoline_lowered:
0x8: {  	[smem:$0x3FA9] =	sst s0  }
0x9: {  	[smem:$0x3FAA] =	sst s1  }
0xa: {  	[smem:$0x3FAB] =	sst s2  }
0xb: {  	[smem:$0x3FAC] =	sst s3  }
0xc: {  	[smem:$0x3FAD] =	sst s4  }
0xd: {  	[smem:$0x3FAE] =	sst s5  }
0xe: {  	[smem:$0x3FAF] =	sst s6  }
0xf: {  	[smem:$0x3FB0] =	sst s7  }
0x10: {  	[smem:$0x3FB1] =	sst s8  }
0x11: {  	[smem:$0x3FB2] =	sst s9;
	s0 =	simm.s32 @!p0 $0x0  }
0x12: {  	s1 =	sld [smem:$0x3F98];
	s0 =	simm.s32 @p0 $0x1  }
0x13: {  	[smem:$0x3FB3] =	sst s0;
	s0 =	simm.s32 @!p1 $0x0  }
0x14: {  	s2 =	sld [smem:$0x3F97];
	s0 =	simm.s32 @p1 $0x1  }
0x15: {  	[smem:$0x3FB4] =	sst s0;
	s0 =	simm.s32 @!p2 $0x0  }
0x16: {  	s3 =	sld [smem:$0x3FDB];
	s0 =	simm.s32 @p2 $0x1  }
0x17: {  	s4 =	simm.s32 $0x1BF5;
	[smem:$0x3FB6] =	sst s0  }
0x18: {  	s0 =	sld [smem:$0x3F99];
	_ =	swait.ge [sflag:s4], $0x0  }
0x19: {  	s7 =	sld [smem:$0x3F9A]  }
0x1a: {  	s8 =	sadd.s32 $0xFFFFE003, lr  }
0x1b: {  	s9 =	sadd.s32 $0xFFFFFEF7, lr;
	s5 =	simm.s32 $0xFFFFFFFF;
	p2 =	slt.u32 s8, $0xFFFFF086  }
0x1c: {  	p1 =	slt.u32 s9, $0xF7A;
	s5 =	simm.s32 @!p2 $0x0  }
0x1d: {  	s5 =	simm.s32 @p1 $0x1;
	p0 =	seq.s32 s7, s2  }
0x1e: {  	s7 =	smul.u32 @!p0 $0xF7A, s2;
	p2 =	seq.s32 @!p0 s5, $0x0  }
0x1f: {  	s9 =	smul.u32 $0xF7A, s1;
	s8 =	simm.s32 @!p0 $0x1BF5;
	p2 =	por !p2, p0  }
0x20: {  	[sflag:s8] =	ssyncset.s32 @!p0 $0xFFFFF086;
	s6 =	sadd.s32 @!p0 s3, s7;
	s7 =	simm.s32 @!p0 $0x108  }
0x21: {  	s3 =	sadd.s32 s3, s9;
	s6 =	sadd.s32 @!p0 $0x88, s6;
	s7 =	simm.s32 @p2 $0x1082  }
0x22: {  	[simem:s7], [sflag:s8] =	dma.local @!p0 [hbm:s6], $0xF7A  }
0x23: {  	s9 =	sor.u32 $0xD0000000, s2;
	s6 =	simm.s32 $0x108;
	_ =	swait.ge @!p0 [sflag:s8], $0x0  }
0x24: {  	s3 =	sadd.s32 $0x88, s3;
	s6 =	simm.s32 @!p1 $0x1082;
	[sflag:s4] =	ssyncset.s32 $0xFFFFF086  }
0x25: {  	[simem:s6], [sflag:s4] =	dma.local [hbm:s3], $0xF7A  }
0x26: {  	[smem:$0x3F9A] =	sst s1;
	(tag) =	ssettag s2;
	_ =	strace s9  }
0x27: {  	s1 =	sld [smem:$0x3FAA]  }
0x28: {  	s2 =	sld [smem:$0x3FAB]  }
0x29: {  	s4 =	sld [smem:$0x3FAD]  }
0x2a: {  	p0 =	seq.s32 s5, $0x0;
	s5 =	sld [smem:$0x3FAE]  }
0x2b: {  	s6 =	sld [smem:$0x3FAF]  }
0x2c: {  	s7 =	sld [smem:$0x3FB0]  }
0x2d: {  	s3 =	simm.s32 $0x108;
	s8 =	sld [smem:$0x3FB1]  }
0x2e: {  	s3 =	simm.s32 @!p0 $0x1082;
	s9 =	sld [smem:$0x3FB2]  }
0x2f: {  	lr =	sadd.s32 s0, s3;
	s0 =	sld [smem:$0x3FA9]  }
0x30: {  	s3 =	sld [smem:$0x3FAC]  }
0x31: {  	[smem:$0x3FB5] =	sst s10  }
0x32: {  	s10 =	sld [smem:$0x3FB3];
	_ =	sdelay $0x3  }
0x33: {  	p0 =	seq.s32 s10, $0x1;
	s10 =	sld [smem:$0x3FB5];
	_ =	sdelay $0x3  }
0x34: {  	[smem:$0x3FB5] =	sst s10  }
0x35: {  	s10 =	sld [smem:$0x3FB4];
	_ =	sdelay $0x3  }
0x36: {  	p1 =	seq.s32 s10, $0x1;
	s10 =	sld [smem:$0x3FB5];
	_ =	sdelay $0x3  }
0x37: {  	[smem:$0x3FB5] =	sst s10  }
0x38: {  	s10 =	sld [smem:$0x3FB6]  }
0x39: {  	_ = 	snop;
	(pc) =	sbr.ind lr, $3  }
0x3a: {  	_ = 	snop  }
0x3b: {  	_ = 	snop  }
0x3c: {  	p2 =	seq.s32 s10, $0x1;
	s10 =	sld [smem:$0x3FB5]  }
0x3d: {  	_ =	shalt  }
0x3e: {  	_ =	shalt  }
0x3f: {  	_ =	shalt  }
0x40: {  	_ =	shalt  }
0x41: {  	_ =	shalt  }
0x42: {  	_ =	shalt  }
0x43: {  	_ =	shalt  }
0x44: {  	_ =	shalt  }
0x45: {  	_ =	shalt  }
0x46: {  	_ =	shalt  }
0x47: {  	_ =	shalt  }
0x48: {  	_ =	shalt  }
0x49: {  	_ =	shalt  }
0x4a: {  	_ =	shalt  }
0x4b: {  	_ =	shalt  }
0x4c: {  	_ =	shalt  }
0x4d: {  	_ =	shalt  }
0x4e: {  	_ =	shalt  }
0x4f: {  	_ =	shalt  }
0x50: {  	_ =	shalt  }
0x51: {  	_ =	shalt  }
0x52: {  	_ =	shalt  }
0x53: {  	_ =	shalt  }
0x54: {  	_ =	shalt  }
0x55: {  	_ =	shalt  }
0x56: {  	_ =	shalt  }
0x57: {  	_ =	shalt  }
0x58: {  	_ =	shalt  }
0x59: {  	_ =	shalt  }
0x5a: {  	_ =	shalt  }
0x5b: {  	_ =	shalt  }
0x5c: {  	_ =	shalt  }
0x5d: {  	_ =	shalt  }
0x5e: {  	_ =	shalt  }
0x5f: {  	_ =	shalt  }
0x60: {  	_ =	shalt  }
0x61: {  	_ =	shalt  }
0x62: {  	_ =	shalt  }
0x63: {  	_ =	shalt  }
0x64: {  	_ =	shalt  }
0x65: {  	_ =	shalt  }
0x66: {  	_ =	shalt  }
0x67: {  	_ =	shalt  }
0x68: {  	_ =	shalt  }
0x69: {  	_ =	shalt  }
0x6a: {  	_ =	shalt  }
0x6b: {  	_ =	shalt  }
0x6c: {  	_ =	shalt  }
0x6d: {  	_ =	shalt  }
0x6e: {  	_ =	shalt  }
0x6f: {  	_ =	shalt  }
0x70: {  	_ =	shalt  }
0x71: {  	_ =	shalt  }
0x72: {  	_ =	shalt  }
0x73: {  	_ =	shalt  }
0x74: {  	_ =	shalt  }
0x75: {  	_ =	shalt  }
0x76: {  	_ =	shalt  }
0x77: {  	_ =	shalt  }
0x78: {  	_ =	shalt  }
0x79: {  	_ =	shalt  }
0x7a: {  	_ =	shalt  }
0x7b: {  	_ =	shalt  }
0x7c: {  	_ =	shalt  }
0x7d: {  	_ =	shalt  }
0x7e: {  	_ =	shalt  }
0x7f: {  	_ =	shalt  }
0x80: {  	_ =	shalt  }
0x81: {  	_ =	shalt  }
0x82: {  	_ =	shalt  }
0x83: {  	_ =	shalt  }
0x84: {  	_ =	shalt  }
0x85: {  	_ =	shalt  }
0x86: {  	_ =	shalt  }
0x87: {  	_ =	shalt  }
.Lfunc_end0:
.L_simem_size_0:
called_computation_lowered:
.L_overlay_start_0:
0x88: {  	s2 =	sld [smem:$0x3FD9]  }
0x89: {  	s3 =	sld [smem:$0x3FFE];
	_ =	sdelay $0x1  }
0x8a: {  	s1 =	srdreg.scid  }
0x8b: {  	s0 =	sand.u32 $0x1, s1  }
0x8c: {  	s17 =	sshll.u32 s0, $0xA;
	s2 =	sadd.s32 s3, s2  }
0x8d: {  	s2 =	sadd.s32 s2, s17  }
0x8e: {  	[smem:$0x3FC1] =	sst s2  }
0x8f: {  	_ = 	snop  }
0x90: {  	s2 =	sld [smem:$0x3FC9]  }
0x91: {  	s18 =	sld [smem:$0x3FC8]  }
0x92: {  	s4 =	sld [smem:$0x3FD0];
	(tm) =	ssettm $0x1  }
0x93: {  	s5 =	sld [smem:$0x3FFB];
	_ =	sdelay $0x3  }
0x94: {  	_ =	strace s5  }
0x95: {  	s5 =	sld [smem:$0x3FFC];
	_ =	sdelay $0x3  }
0x96: {  	_ =	strace s5  }
0x97: {  	s5 =	sld [smem:$0x3FFD];
	_ =	sdelay $0x3  }
0x98: {  	_ =	strace s5  }
0x99: {  	_ =	strace $0x8FFFFFFF  }
0x9a: {  	s19 =	sld [smem:$0x3FDB];
	_ =	sdelay $0x1  }
0x9b: {  	s6 =	simm.s32 $_scs_section_size  }
0x9c: {  	s7 =	simm.s32 $_size__tile_overlayer_lowered;
	s8 =	simm.s32 $_tile_overlayer_lowered  }
0x9d: {  	s22 =	simm.s32 $0x1BFF;
	s21 =	sshll.u32 s8, $0x1;
	s5 =	sadd.s32 s6, s19  }
0x9e: {  	s9 =	simm.s32 $0x0;
	s20 =	sshll.u32 s7, $0x1;
	s7 =	sadd.s32 s21, s5  }
0x9f: {  	[timem:s9], [sflag:s22] =	dma.local [hbm:s7], s20  }
0xa0: {  	_ =	swait.ge [sflag:s22], s20  }
0xa1: {  	s6 =	ssub.s32 $0x0, s20;
	[sflag:s22] =	ssyncset.done $0x0  }
0xa2: {  	[sflag:s22] =	ssyncadd.s32 s6;
	_ =	sdelay $0x1  }
0xa3: {  	s23 =	simm.s32 $0x1B8B  }
0xa4: {  	_ =	swait.ge [sflag:s23], $0x1  }
0xa5: {  	[sflag:s23] =	ssyncset.done $0x0  }
0xa6: {  	s25 =	simm.s32 $0x1B8E;
	s24 =	sld [smem:$0x3FFE];
	[sflag:s23] =	ssyncadd.s32 $0xFFFFFFFF  }
0xa7: {  	s26 =	simm.s32 $execute0_lowered;
	[smem:$0x3FD2] =	sst s25  }
0xa8: {  	s7 =	sshll.u32 s26, $0x1;
	_ =	strace $0x80000046;
	[dreg:$0x1] =	wrdreg $0xFFFFFFFF  }
0xa9: {  	s28 =	simm.s32 $_size_execute0_lowered;
	s5 =	sadd.s32 s5, s7;
	[dreg:$0x0] =	wrdreg $0x0  }
0xaa: {  	s7 =	sshll.u32 s28, $0x1;
	[dreg:$0x2] =	wrdreg s5  }
0xab: {  	[dreg:$0x3] =	wrdreg s7  }
0xac: {  	[dreg:$0x4] =	wrdreg $0xC0  }
0xad: {  	_ =	task [dreg:s9], $0x5FFFF  }
0xae: {  	[dreg:$0x1] =	wrdreg $0xFFFFFFFF  }
0xaf: {  	[dreg:$0x0] =	wrdreg $0x60  }
0xb0: {  	[dreg:$0x2] =	wrdreg s2  }
0xb1: {  	[dreg:$0x3] =	wrdreg s18  }
0xb2: {  	[dreg:$0x4] =	wrdreg s24  }
0xb3: {  	[dreg:$0x5] =	wrdreg s4  }
0xb4: {  	[dreg:$0x6] =	wrdreg $0x9  }
0xb5: {  	_ =	task.clear_ibuf [dreg:s9], $0x7FFFF;
	_ =	strace $0x90000046  }
0xb6: {  	s29 =	simm.s32 $0x9;
	_ =	strace $0x80000048  }
0xb7: {  	_ =	swait.ge [sflag:s29], $0x1  }
0xb8: {  	[sflag:s29] =	ssyncadd.s32 $0xFFFFFFFF  }
0xb9: {  	_ =	strace $0x90000048  }
0xba: {  	_ =	sfence  }
0xbb: {  	s30 =	sld [smem:$0x0];
	_ =	sdelay $0x2  }
0xbc: {  	s31 =	sshll.u32 s1, $0xD;
	s1 =	sshrl.u32 s1, $0x2  }
0xbd: {  	s3 =	sand.u32 $0x4000, s31;
	s1 =	sadd.s32 s1, s30  }
0xbe: {  	s0 =	sor.u32 s3, s0;
	s1 =	sshll.u32 s1, $0x11  }
0xbf: {  	s0 =	sor.u32 s1, s0  }
0xc0: {  	s0 =	sadd.s32 $0x8F2B, s0  }
0xc1: {  	[sflag:s0] =	ssyncadd.remote.s32 $0x1  }
0xc2: {  	_ =	sfence.sel $0xFFFF  }
0xc3: {  	[dreg:$0x0] =	wrdreg $0xFFFFFFFF;
	(pc) =	sbr.abs _section_cstart, $3  }
0xc4: {  	[dreg:$0x1] =	wrdreg $0xFFFFFFFF  }
0xc5: {  	_ =	task.clear_ibuf [dreg:s9], $0x2FFFF;
	_ =	strace $0x9FFFFFFF  }
0xc6: {  	(tm) =	ssettm $0x7FFFFFFF  }
0xc7: {  	_ =	shalt  }
tec
execute0_lowered:
.L_overlay_start_1:
0x0: {  	(tag) =	ssettag $0x1  }
0x1: {  	s0 =	rddreg [dreg:$0x0]  }
0x2: {  	s3 =	rddreg [dreg:$0x1]  }
0x3: {  	s1 =	rddreg [dreg:$0x2]  }
0x4: {  	s16 =	rddreg [dreg:$0x3];
	s2 =	simm.s32 $0x0  }
0x5: {  	s6 =	srdreg.scid;
	s10 =	stileid.u32;
	s19 =	simm.s32 $0x200  }
0x6: {  	s20 =	simm.s32 $0x80;
	s21 =	simm.s32 $0x280;
	s22 =	simm.s32 $0x100  }
0x7: {  	s23 =	simm.s32 $0x300;
	s24 =	simm.s32 $0x180;
	s25 =	simm.s32 $0x380  }
0x8: {  	s30 =	simm.s32 $0x1;
	s31 =	simm.s32 $0x8810;
	[smem:$0x7FF] =	sst s2  }
0x9: {  	s4 =	sadd.s32 $0x3D400, s1;
	s5 =	sadd.s32 $0x1EA00, s1;
	s7 =	sand.u32 $0x1, s6  }
0xa: {  	s6 =	sadd.s32 $0x1312E00, s1;
	s10 =	sshll.u32 s10, $0x7;
	s8 =	ssub.s32 $0x2, s7  }
0xb: {  	_ =	strace $0x80000047;
	s11 =	sshll.u32 s7, $0x6;
	s9 =	sshrl.u32 s8, $0x1  }
0xc: {  	s7 =	sadd.s32 $0xF42400, s1;
	s18 =	sor.u32 s11, s10;
	s17 =	ssub.s32 s8, s9  }
0xd: {  	s8 =	sadd.s32 s0, s18;
	s9 =	sadd.s32 s3, s18;
	s11 =	sor.u32 $0x10, s18  }
0xe: {  	s13 =	sor.u32 $0x20, s18;
	s15 =	sor.u32 $0x30, s18;
	s16 =	sadd.s32 s16, s18  }
0xf: {  	s18 =	simm.s32 $0x2;
	s10 =	sadd.s32 s0, s11;
	s11 =	sadd.s32 s3, s11  }
0x10: {  	v0 =	vlaneseq.u32;
	s12 =	sadd.s32 s0, s13;
	s13 =	sadd.s32 s3, s13;
	s14 =	sadd.s32 s0, s15  }
0x11: {  	v0 =	vmul.u32 $0x200, v0;
	s15 =	sadd.s32 s3, s15;
	s17 =	smax.u32 s17, $0x1;
	s3 =	simm.s32 $0x0  }
.LBB2_1:
0x12: {  	[tilespmem:s2], [sflag:$0x2] =	stream.linear.gather [hbm4b:s8+s2], $0x80, $0x38;
	[tilespmem:$0xAA10] =	vst v63  }
0x13: {  	_ =	swait.ge [sflag:s18], $0x80  }
0x14: {  	[sflag:s18] =	ssyncset.done $0x0  }
0x15: {  	[sflag:s18] =	ssyncadd.s32 $0xFFFFFF80  }
0x16: {  	[tilespmem:s19], [sflag:$0x2] =	stream.linear.gather [hbm4b:s9+s2], $0x80, $0x38;
	[tilespmem:$0xAA10] =	vst v63  }
0x17: {  	_ =	swait.ge [sflag:s18], $0x80  }
0x18: {  	[sflag:s18] =	ssyncset.done $0x0  }
0x19: {  	[sflag:s18] =	ssyncadd.s32 $0xFFFFFF80  }
0x1a: {  	[tilespmem:s20], [sflag:$0x2] =	stream.linear.gather [hbm4b:s10+s2], $0x80, $0x38;
	[tilespmem:$0xAA10] =	vst v63  }
0x1b: {  	_ =	swait.ge [sflag:s18], $0x80  }
0x1c: {  	[sflag:s18] =	ssyncset.done $0x0  }
0x1d: {  	[sflag:s18] =	ssyncadd.s32 $0xFFFFFF80  }
0x1e: {  	[tilespmem:s21], [sflag:$0x2] =	stream.linear.gather [hbm4b:s11+s2], $0x80, $0x38;
	[tilespmem:$0xAA10] =	vst v63  }
0x1f: {  	_ =	swait.ge [sflag:s18], $0x80  }
0x20: {  	[sflag:s18] =	ssyncset.done $0x0  }
0x21: {  	[sflag:s18] =	ssyncadd.s32 $0xFFFFFF80  }
0x22: {  	[tilespmem:s22], [sflag:$0x2] =	stream.linear.gather [hbm4b:s12+s2], $0x80, $0x38;
	[tilespmem:$0xAA10] =	vst v63  }
0x23: {  	_ =	swait.ge [sflag:s18], $0x80  }
0x24: {  	[sflag:s18] =	ssyncset.done $0x0  }
0x25: {  	[sflag:s18] =	ssyncadd.s32 $0xFFFFFF80  }
0x26: {  	[tilespmem:s23], [sflag:$0x2] =	stream.linear.gather [hbm4b:s13+s2], $0x80, $0x38;
	[tilespmem:$0xAA10] =	vst v63  }
0x27: {  	_ =	swait.ge [sflag:s18], $0x80  }
0x28: {  	[sflag:s18] =	ssyncset.done $0x0  }
0x29: {  	[sflag:s18] =	ssyncadd.s32 $0xFFFFFF80  }
0x2a: {  	[tilespmem:s24], [sflag:$0x2] =	stream.linear.gather [hbm4b:s14+s2], $0x80, $0x38;
	[tilespmem:$0xAA10] =	vst v63  }
0x2b: {  	_ =	swait.ge [sflag:s18], $0x80  }
0x2c: {  	[sflag:s18] =	ssyncset.done $0x0  }
0x2d: {  	[sflag:s18] =	ssyncadd.s32 $0xFFFFFF80  }
0x2e: {  	[tilespmem:s25], [sflag:$0x2] =	stream.linear.gather [hbm4b:s15+s2], $0x80, $0x38;
	[tilespmem:$0xAA10] =	vst v63  }
0x2f: {  	_ =	swait.ge [sflag:s18], $0x80  }
0x30: {  	[sflag:s18] =	ssyncset.done $0x0  }
0x31: {  	s0 =	simm.s32 $0x8800;
	[sflag:s18] =	ssyncadd.s32 $0xFFFFFF80  }
0x32: {  	[tilespmem:s0], [sflag:$0x2] =	stream.linear.gather [hbm4b:s4+s2], $0x10, $0x38;
	[tilespmem:$0xAA10] =	vst v63  }
0x33: {  	_ =	swait.ge [sflag:s18], $0x10  }
0x34: {  	[sflag:s18] =	ssyncset.done $0x0  }
0x35: {  	s26 =	simm.s32 $0x400;
	[sflag:s18] =	ssyncadd.s32 $0xFFFFFFF0  }
0x36: {  	[tilespmem:s26], [sflag:$0x1] =	stream.indirect.gather [hbm4b:s6+s20], $0x20, s2, s20, $0xb8;
	[tilespmem:$0xAA10] =	vst v63  }
0x37: {  	s26 =	simm.s32 $0x4400  }
0x38: {  	[tilespmem:s26], [sflag:$0x1] =	stream.indirect.gather [hbm4b:s7+s20], $0x20, s19, s20, $0xb8;
	[tilespmem:$0xAA10] =	vst v63  }
0x39: {  	s26 =	simm.s32 $0x8400  }
0x3a: {  	[tilespmem:s26], [sflag:$0x1] =	stream.indirect.gather [hbm4b:s5+s20], $0x1, s2, s20, $0xb8;
	[tilespmem:$0xAA10] =	vst v63  }
0x3b: {  	s26 =	simm.s32 $0x8600  }
0x3c: {  	[tilespmem:s26], [sflag:$0x1] =	stream.indirect.gather [hbm4b:s1+s20], $0x1, s19, s20, $0xb8;
	[tilespmem:$0xAA10] =	vst v63  }
0x3d: {  	s26 =	simm.s32 $0x1400  }
0x3e: {  	[tilespmem:s26], [sflag:$0x1] =	stream.indirect.gather [hbm4b:s6+s20], $0x20, s20, s20, $0xb8;
	[tilespmem:$0xAA10] =	vst v63  }
0x3f: {  	s26 =	simm.s32 $0x5400  }
0x40: {  	[tilespmem:s26], [sflag:$0x1] =	stream.indirect.gather [hbm4b:s7+s20], $0x20, s21, s20, $0xb8;
	[tilespmem:$0xAA10] =	vst v63  }
0x41: {  	s26 =	simm.s32 $0x8480  }
0x42: {  	[tilespmem:s26], [sflag:$0x1] =	stream.indirect.gather [hbm4b:s5+s20], $0x1, s20, s20, $0xb8;
	[tilespmem:$0xAA10] =	vst v63  }
0x43: {  	s26 =	simm.s32 $0x8680  }
0x44: {  	[tilespmem:s26], [sflag:$0x1] =	stream.indirect.gather [hbm4b:s1+s20], $0x1, s21, s20, $0xb8;
	[tilespmem:$0xAA10] =	vst v63  }
0x45: {  	s26 =	simm.s32 $0x2400  }
0x46: {  	[tilespmem:s26], [sflag:$0x1] =	stream.indirect.gather [hbm4b:s6+s20], $0x20, s22, s20, $0xb8;
	[tilespmem:$0xAA10] =	vst v63  }
0x47: {  	s26 =	simm.s32 $0x6400  }
0x48: {  	[tilespmem:s26], [sflag:$0x1] =	stream.indirect.gather [hbm4b:s7+s20], $0x20, s23, s20, $0xb8;
	[tilespmem:$0xAA10] =	vst v63  }
0x49: {  	s26 =	simm.s32 $0x8500  }
0x4a: {  	[tilespmem:s26], [sflag:$0x1] =	stream.indirect.gather [hbm4b:s5+s20], $0x1, s22, s20, $0xb8;
	[tilespmem:$0xAA10] =	vst v63  }
0x4b: {  	s26 =	simm.s32 $0x8700  }
0x4c: {  	[tilespmem:s26], [sflag:$0x1] =	stream.indirect.gather [hbm4b:s1+s20], $0x1, s23, s20, $0xb8;
	[tilespmem:$0xAA10] =	vst v63  }
0x4d: {  	s26 =	simm.s32 $0x3400  }
0x4e: {  	[tilespmem:s26], [sflag:$0x1] =	stream.indirect.gather [hbm4b:s6+s20], $0x20, s24, s20, $0xb8;
	[tilespmem:$0xAA10] =	vst v63  }
0x4f: {  	s26 =	simm.s32 $0x7400  }
0x50: {  	[tilespmem:s26], [sflag:$0x1] =	stream.indirect.gather [hbm4b:s7+s20], $0x20, s25, s20, $0xb8;
	[tilespmem:$0xAA10] =	vst v63  }
0x51: {  	s26 =	simm.s32 $0x8580  }
0x52: {  	[tilespmem:s26], [sflag:$0x1] =	stream.indirect.gather [hbm4b:s5+s20], $0x1, s24, s20, $0xb8;
	[tilespmem:$0xAA10] =	vst v63  }
0x53: {  	s26 =	simm.s32 $0x8780  }
0x54: {  	[tilespmem:s26], [sflag:$0x1] =	stream.indirect.gather [hbm4b:s1+s20], $0x1, s25, s20, $0xb8;
	[tilespmem:$0xAA10] =	vst v63  }
0x55: {  	_ =	swait.ge [sflag:s30], $0x1000  }
0x56: {  	[sflag:s30] =	ssyncset.done $0x0  }
0x57: {  	[sflag:s30] =	ssyncadd.s32 $0xFFFFF000  }
0x58: {  	_ =	swait.ge [sflag:s30], $0x1000  }
0x59: {  	[sflag:s30] =	ssyncset.done $0x0  }
0x5a: {  	[sflag:s30] =	ssyncadd.s32 $0xFFFFF000  }
0x5b: {  	_ =	swait.ge [sflag:s30], $0x80  }
0x5c: {  	[sflag:s30] =	ssyncset.done $0x0  }
0x5d: {  	[sflag:s30] =	ssyncadd.s32 $0xFFFFFF80  }
0x5e: {  	_ =	swait.ge [sflag:s30], $0x80  }
0x5f: {  	[sflag:s30] =	ssyncset.done $0x0  }
0x60: {  	[sflag:s30] =	ssyncadd.s32 $0xFFFFFF80  }
0x61: {  	_ =	swait.ge [sflag:s30], $0x1000  }
0x62: {  	[sflag:s30] =	ssyncset.done $0x0  }
0x63: {  	[sflag:s30] =	ssyncadd.s32 $0xFFFFF000  }
0x64: {  	_ =	swait.ge [sflag:s30], $0x1000  }
0x65: {  	[sflag:s30] =	ssyncset.done $0x0  }
0x66: {  	[sflag:s30] =	ssyncadd.s32 $0xFFFFF000  }
0x67: {  	_ =	swait.ge [sflag:s30], $0x80  }
0x68: {  	[sflag:s30] =	ssyncset.done $0x0  }
0x69: {  	[sflag:s30] =	ssyncadd.s32 $0xFFFFFF80  }
0x6a: {  	_ =	swait.ge [sflag:s30], $0x80  }
0x6b: {  	[sflag:s30] =	ssyncset.done $0x0  }
0x6c: {  	[sflag:s30] =	ssyncadd.s32 $0xFFFFFF80  }
0x6d: {  	_ =	swait.ge [sflag:s30], $0x1000  }
0x6e: {  	[sflag:s30] =	ssyncset.done $0x0  }
0x6f: {  	[sflag:s30] =	ssyncadd.s32 $0xFFFFF000  }
0x70: {  	_ =	swait.ge [sflag:s30], $0x1000  }
0x71: {  	[sflag:s30] =	ssyncset.done $0x0  }
0x72: {  	[sflag:s30] =	ssyncadd.s32 $0xFFFFF000  }
0x73: {  	_ =	swait.ge [sflag:s30], $0x80  }
0x74: {  	[sflag:s30] =	ssyncset.done $0x0  }
0x75: {  	[sflag:s30] =	ssyncadd.s32 $0xFFFFFF80  }
0x76: {  	_ =	swait.ge [sflag:s30], $0x80  }
0x77: {  	[sflag:s30] =	ssyncset.done $0x0  }
0x78: {  	[sflag:s30] =	ssyncadd.s32 $0xFFFFFF80  }
0x79: {  	_ =	swait.ge [sflag:s30], $0x1000  }
0x7a: {  	[sflag:s30] =	ssyncset.done $0x0  }
0x7b: {  	[sflag:s30] =	ssyncadd.s32 $0xFFFFF000  }
0x7c: {  	_ =	swait.ge [sflag:s30], $0x1000  }
0x7d: {  	[sflag:s30] =	ssyncset.done $0x0  }
0x7e: {  	[sflag:s30] =	ssyncadd.s32 $0xFFFFF000  }
0x7f: {  	_ =	swait.ge [sflag:s30], $0x80  }
0x80: {  	[sflag:s30] =	ssyncset.done $0x0  }
0x81: {  	[sflag:s30] =	ssyncadd.s32 $0xFFFFFF80  }
0x82: {  	_ =	swait.ge [sflag:s30], $0x80  }
0x83: {  	[sflag:s30] =	ssyncset.done $0x0  }
0x84: {  	s0 =	simm.s32 $0x4410;
	[sflag:s30] =	ssyncadd.s32 $0xFFFFFF80  }
0x85: {  	s26 =	simm.s32 $0x410;
	v1 =	vld [tilespmem:s0+$0xFFFFFFF0]  }
0x86: {  	v2 =	vld [tilespmem:s26+$0xFFFFFFF0]  }
0x87: {  	v3 =	vld [tilespmem:s26+$0x0]  }
0x88: {  	s28 =	simm.s32 $0x1;
	s29 =	simm.s32 $0x0;
	v4 =	vld [tilespmem:s0+$0x0]  }
.LBB2_2:
0x89: {  	p0 =	sne.s32 s28, $0x1FF;
	_ =	sdelay $0x2  }
0x8a: {  	v5 =	vor.u32 s29, v0;
	s29 =	smov.u32 s28  }
0x8b: {  	v1 =	vmul.f32 v1, v2;
	v2 =	vmul.f32 v4, v3;
	_ =	sdelay $0x1  }
0x8c: {  	v1 =	vadd.f32 v2, v1;
	_ =	sdelay $0x1  }
.Ltmp0:
0x8d: {  	s0 =	sadd.s32 $0x20, s0;
	[tilespmem:v5+s31+$0x0] =	vst.idx.msk $0xffff, v1;
	(pc) =	sbr.rel @p0 .LBB2_2-.Ltmp0, $4  }
0x8e: {  	s26 =	sadd.s32 $0x20, s26;
	v1 =	vld [tilespmem:s0+$0xFFFFFFF0]  }
0x8f: {  	v2 =	vld [tilespmem:s26+$0xFFFFFFF0]  }
0x90: {  	v3 =	vld [tilespmem:s26+$0x0]  }
0x91: {  	s28 =	sadd.s32 $0x1, s28;
	v4 =	vld [tilespmem:s0+$0x0]  }
0x92: {  	_ =	sdelay $0x2  }
0x93: {  	v5 =	vor.u32 s29, v0  }
0x94: {  	v1 =	vmul.f32 v1, v2;
	v2 =	vmul.f32 v4, v3;
	_ =	sdelay $0x1  }
0x95: {  	v1 =	vadd.f32 v2, v1;
	_ =	sdelay $0x1  }
0x96: {  	s28 =	simm.s32 $0x0;
	[tilespmem:v5+s31+$0x0] =	vst.idx.msk $0xffff, v1  }
0x97: {  	v2 =	vld [tilespmem:s28+$0x8400]  }
0x98: {  	v3 =	vld [tilespmem:s28+$0x8600];
	_ =	sdelay $0x1  }
0x99: {  	v1 =	vld [tilespmem:$0x8800];
	_ =	sdelay $0x1  }
0x9a: {  	v4 =	vld [tilespmem:s28+$0x8810]  }
0x9b: {  	v2 =	vadd.f32 v3, v2  }
0x9c: {  	v3 =	vld [tilespmem:s28+$0x8A10]  }
0x9d: {  	v2 =	vadd.f32 v2, v1  }
0x9e: {  	v5 =	vld [tilespmem:s28+$0x8C10]  }
0x9f: {  	v2 =	vadd.f32 v2, v4  }
0xa0: {  	v4 =	vld [tilespmem:s28+$0x8E10]  }
0xa1: {  	v2 =	vadd.f32 v2, v3  }
0xa2: {  	v3 =	vld [tilespmem:s28+$0x9010]  }
0xa3: {  	v2 =	vadd.f32 v2, v5  }
0xa4: {  	v5 =	vld [tilespmem:s28+$0x9210]  }
0xa5: {  	s26 =	simm.s32 $0x10;
	v6 =	vld [tilespmem:s28+$0x9410];
	v2 =	vadd.f32 v2, v4  }
0xa6: {  	v7 =	vld [tilespmem:s26+$0x8400]  }
0xa7: {  	v4 =	vld [tilespmem:s28+$0x9610];
	v2 =	vadd.f32 v2, v3  }
0xa8: {  	v3 =	vld [tilespmem:s26+$0x8600]  }
0xa9: {  	v8 =	vld [tilespmem:s28+$0x9810];
	v5 =	vadd.f32 v2, v5  }
0xaa: {  	v9 =	vld [tilespmem:s26+$0x8810]  }
0xab: {  	v10 =	vld [tilespmem:s26+$0x8C10];
	v5 =	vadd.f32 v5, v6  }
0xac: {  	v6 =	vld [tilespmem:s28+$0x9A10]  }
0xad: {  	v3 =	vadd.f32 v3, v7;
	v7 =	vld [tilespmem:s26+$0x8A10];
	v4 =	vadd.f32 v5, v4  }
0xae: {  	v5 =	vld [tilespmem:s28+$0x9C10]  }
0xaf: {  	v11 =	vld [tilespmem:s26+$0x8E10];
	v3 =	vadd.f32 v3, v1;
	v4 =	vadd.f32 v4, v8  }
0xb0: {  	v8 =	vld [tilespmem:s28+$0x9E10]  }
0xb1: {  	v12 =	vld [tilespmem:s28+$0xA210];
	v3 =	vadd.f32 v3, v9;
	v4 =	vadd.f32 v4, v6  }
0xb2: {  	v9 =	vld [tilespmem:s28+$0xA010]  }
0xb3: {  	v13 =	vld [tilespmem:s26+$0x9010];
	v3 =	vadd.f32 v3, v7;
	v4 =	vadd.f32 v4, v5  }
0xb4: {  	v2 =	vld [tilespmem:s28+$0xA610]  }
0xb5: {  	v6 =	vld [tilespmem:s26+$0x9210];
	v3 =	vadd.f32 v3, v10;
	v5 =	vadd.f32 v4, v8  }
0xb6: {  	v4 =	vld [tilespmem:s28+$0xA410]  }
0xb7: {  	v7 =	vld [tilespmem:s26+$0x9410];
	v8 =	vadd.f32 v3, v11;
	v9 =	vadd.f32 v5, v9  }
0xb8: {  	s29 =	simm.s32 $0x20;
	v3 =	vld [tilespmem:s26+$0x9610]  }
0xb9: {  	s0 =	simm.s32 $0xC0;
	v5 =	vld [tilespmem:s29+$0x8400];
	v8 =	vadd.f32 v8, v13;
	v9 =	vadd.f32 v9, v12  }
.LBB2_4:
0xba: {  	p0 =	sne.s32 s0, $0x7C0;
	v10 =	vld [tilespmem:s29+$0x8600]  }
0xbb: {  	v6 =	vadd.f32 v8, v6;
	v8 =	vld [tilespmem:s26+$0xA610];
	v4 =	vadd.f32 v9, v4  }
0xbc: {  	v9 =	vld [tilespmem:s26+$0x9810]  }
0xbd: {  	v6 =	vadd.f32 v6, v7;
	v7 =	vld [tilespmem:s26+$0x9A10];
	v11 =	vadd.f32 v4, v2  }
0xbe: {  	v4 =	vld [tilespmem:s29+$0x8810]  }
0xbf: {  	v5 =	vadd.f32 v10, v5;
	v3 =	vadd.f32 v6, v3;
	v6 =	vld [tilespmem:s26+$0x9C10];
	[tilespmem:s28+$0xA810] =	vst v11;
	s28 =	smov.u32 s26;
	s26 =	smov.u32 s29  }
0xc0: {  	v10 =	vld [tilespmem:s26+$0x8A10];
	v2 =	vmov v8  }
0xc1: {  	v5 =	vadd.f32 v5, v1;
	v3 =	vadd.f32 v3, v9;
	v8 =	vld [tilespmem:s28+$0x9E10]  }
0xc2: {  	v9 =	vld [tilespmem:s26+$0x8C10]  }
0xc3: {  	v4 =	vadd.f32 v5, v4;
	v3 =	vadd.f32 v3, v7;
	v5 =	vld [tilespmem:s28+$0xA010]  }
0xc4: {  	v7 =	vld [tilespmem:s26+$0x8E10]  }
0xc5: {  	v4 =	vadd.f32 v4, v10;
	v3 =	vadd.f32 v3, v6;
	v10 =	vld [tilespmem:s28+$0xA210]  }
0xc6: {  	v11 =	vld [tilespmem:s26+$0x9010]  }
.Ltmp1:
0xc7: {  	v9 =	vadd.f32 v4, v9;
	v8 =	vadd.f32 v3, v8;
	v4 =	vld [tilespmem:s28+$0xA410];
	(pc) =	sbr.rel @p0 .LBB2_4-.Ltmp1, $4  }
0xc8: {  	v6 =	vld [tilespmem:s26+$0x9210]  }
0xc9: {  	v9 =	vadd.f32 v9, v7;
	v3 =	vld [tilespmem:s26+$0x9610];
	v12 =	vadd.f32 v8, v5  }
0xca: {  	s29 =	sshra.s32 s0, $0x2;
	v7 =	vld [tilespmem:s26+$0x9410]  }
0xcb: {  	s0 =	sadd.s32 $0x40, s0;
	v5 =	vld [tilespmem:s29+$0x8400];
	v8 =	vadd.f32 v9, v11;
	v9 =	vadd.f32 v12, v10  }
0xcc: {  	v10 =	vld [tilespmem:s29+$0x8600]  }
0xcd: {  	v11 =	vld [tilespmem:s26+$0xA610];
	v4 =	vadd.f32 v9, v4  }
0xce: {  	v49 =	vld [tilespmem:s26+$0x9810]  }
0xcf: {  	v12 =	vld [tilespmem:s26+$0x9A10];
	v6 =	vadd.f32 v8, v6;
	v2 =	vadd.f32 v4, v2  }
0xd0: {  	v50 =	vld [tilespmem:s29+$0x8810]  }
0xd1: {  	v51 =	vld [tilespmem:s26+$0x9C10];
	v6 =	vadd.f32 v6, v7;
	v5 =	vadd.f32 v10, v5;
	[tilespmem:s28+$0xA810] =	vst v2  }
0xd2: {  	v2 =	vld [tilespmem:s29+$0x8A10]  }
0xd3: {  	v3 =	vadd.f32 v6, v3;
	v1 =	vadd.f32 v5, v1  }
0xd4: {  	v52 =	vld [tilespmem:s29+$0x8C10]  }
0xd5: {  	v53 =	vld [tilespmem:s26+$0x9E10];
	v3 =	vadd.f32 v3, v49;
	v1 =	vadd.f32 v1, v50  }
0xd6: {  	v54 =	vld [tilespmem:s29+$0x8E10]  }
0xd7: {  	v55 =	vld [tilespmem:s26+$0xA010];
	v3 =	vadd.f32 v3, v12;
	v1 =	vadd.f32 v1, v2  }
0xd8: {  	v2 =	vld [tilespmem:s29+$0x9010]  }
0xd9: {  	v56 =	vld [tilespmem:s26+$0xA210];
	v3 =	vadd.f32 v3, v51;
	v1 =	vadd.f32 v1, v52  }
0xda: {  	v57 =	vld [tilespmem:s29+$0x9210]  }
0xdb: {  	v58 =	vld [tilespmem:s26+$0xA410];
	v3 =	vadd.f32 v3, v53;
	v1 =	vadd.f32 v1, v54  }
0xdc: {  	v59 =	vld [tilespmem:s29+$0x9410]  }
0xdd: {  	v3 =	vadd.f32 v3, v55;
	v1 =	vadd.f32 v1, v2  }
0xde: {  	v2 =	vld [tilespmem:s29+$0x9610]  }
0xdf: {  	v3 =	vadd.f32 v3, v56;
	v1 =	vadd.f32 v1, v57  }
0xe0: {  	v60 =	vld [tilespmem:s29+$0x9810]  }
0xe1: {  	v3 =	vadd.f32 v3, v58;
	v1 =	vadd.f32 v1, v59  }
0xe2: {  	v61 =	vld [tilespmem:s29+$0x9A10]  }
0xe3: {  	v3 =	vadd.f32 v3, v11;
	v1 =	vadd.f32 v1, v2  }
0xe4: {  	v2 =	vld [tilespmem:s29+$0x9C10]  }
0xe5: {  	v62 =	vld [tilespmem:s29+$0xA610];
	[tilespmem:s26+$0xA810] =	vst v3;
	v1 =	vadd.f32 v1, v60  }
0xe6: {  	v3 =	vld [tilespmem:s29+$0x9E10]  }
0xe7: {  	v1 =	vadd.f32 v1, v61  }
0xe8: {  	v63 =	vld [tilespmem:s29+$0xA010]  }
0xe9: {  	v1 =	vadd.f32 v1, v2  }
0xea: {  	v2 =	vld [tilespmem:s29+$0xA210]  }
0xeb: {  	v1 =	vadd.f32 v1, v3  }
0xec: {  	v3 =	vld [tilespmem:s29+$0xA410]  }
0xed: {  	v1 =	vadd.f32 v1, v63;
	_ =	sdelay $0x1  }
0xee: {  	v1 =	vadd.f32 v1, v2;
	_ =	sdelay $0x1  }
0xef: {  	v1 =	vadd.f32 v1, v3;
	_ =	sdelay $0x1  }
0xf0: {  	s3 =	sadd.s32 $0x1, s3;
	v1 =	vadd.f32 v1, v62  }
0xf1: {  	p0 =	sne.s32 s3, s17  }
.Ltmp2:
0xf2: {  	s0 =	simm.s32 $0xA810;
	[tilespmem:s29+$0xA810] =	vst v1;
	(pc) =	sbr.rel @p0 .LBB2_1-.Ltmp2, $4  }
0xf3: {  	[hbm4b:s16+s2] =	stream.linear.scatter [tilespmem:s0], [sflag:$0x2], $0x200, $0x38;
	[tilespmem:$0xAA10] =	vst v63  }
0xf4: {  	_ =	swait.ge [sflag:s18], $0x200  }
0xf5: {  	[sflag:s18] =	ssyncset.done $0x0  }
0xf6: {  	[sflag:s18] =	ssyncadd.s32 $0xFFFFFE00  }
0xf7: {  	_ =	sfence.sel $0x180000  }
0xf8: {  	[bflag:$0x0] =	sbarrier.arrive $0xFFFF  }
0xf9: {  	_ =	strace $0x90000047  }
0xfa: {  	s0 =	stileid.u32;
	[bflag:$0x2] =	sbarrier.arrive $0xFFFF  }
0xfb: {  	p0 =	sne.s32 s0, $0x0;
	s0 =	rddreg [dreg:$0x4]  }
0xfc: {  	s0 =	sadd.s32 @!p0 $0x100000, s0  }
0xfd: {  	[sflag:s0] =	ssyncadd.tile.s32 @!p0 $0x1;
	_ =	shalt  }
.Lfunc_end2:
_tile_overlayer_lowered:
.L_overlay_start_2:
0xfe: {  	(tag) =	ssettag $0x2  }
0xff: {  	s0 =	rddreg [dreg:$0x0];
	s2 =	stileid.u32  }
0x100: {  	s1 =	rddreg [dreg:$0x1];
	p0 =	sne.s32 s2, $0x0  }
0x101: {  	s3 =	rddreg [dreg:$0x2];
	[bflag:$0x3] =	sbarrier.arrive $0xFFFF;
	s2 =	simm.s32 @!p0 $0x1C02  }
0x102: {  	[timem:s3], [sflag:s2] =	dma.local @!p0 [hbm:s0], s1  }
0x103: {  	s0 =	simm.s32 @!p0 $0x2  }
0x104: {  	_ =	swait.ge @!p0 [sflag:s0], s1  }
0x105: {  	s1 =	ssub.s32 @!p0 $0x0, s1;
	[sflag:s0] =	ssyncset.done @!p0 $0x0  }
0x106: {  	[sflag:s0] =	ssyncadd.s32 @!p0 s1  }
0x107: {  	[bflag:$0x3] =	sbarrier.arrive $0xFFFF  }
0x108: {  	_ =	shalt  }

</sc_bundles>
